<compile_context>
chip_gen: v7x
topology: tpu7x:2x2x1
jax: 0.10.2.dev20260603
libtpu: 0.0.44.dev20260713+nightly
codegen_flags: <defaults>
</compile_context>

<pallas_src>
import functools

import jax
import jax.numpy as jnp
from jax import lax
from jax.experimental import pallas as pl
from jax.experimental.pallas import tpu as pltpu
from jax.experimental.pallas import tpu_sc as plsc

N_NODES = 10000
N_EDGES = 320000
DIM = 128
EDGE_DIM = 16

NPAD = 10000
NC = 2
NS = 16
NW = NC * NS
E_PER_W = N_EDGES // NW
CHUNK = 80
N_CHUNKS = E_PER_W // CHUNK
ROWS_PER_TILE = NPAD // NS



def _pq_body(x_ref, w_ref, bias_ref, p_ref, q_ref):
    pq = jnp.dot(x_ref[...], w_ref[...], preferred_element_type=jnp.float32)
    pq = pq + bias_ref[...]
    p_ref[...] = pq[:, :DIM]
    q_ref[...] = pq[:, DIM:]


def _r_body(ea_ref, ct_ref, r_ref):
    r_ref[...] = jnp.dot(ea_ref[...], ct_ref[...],
                         preferred_element_type=jnp.float32)



def _edge_body(p_hbm, qb_hbm, r_hbm, src_hbm, dst_hbm, v_hbm, c_hbm,
               z128_hbm, u_out, z_out,
               isrc, idst, pbuf, qbuf, rbuf, mbuf,
               zbuf, vbuf, cbuf, ush, sem):
    c = lax.axis_index("c")
    s = lax.axis_index("s")
    wid = s * NC + c
    ebase = wid * E_PER_W

    def _rows_copy(copy_fn):
        @pl.when(s < NS - 1)
        def _():
            copy_fn(pl.multiple_of(s * 632, 8), 632)

        @pl.when(s == NS - 1)
        def _():
            copy_fn(632 * (NS - 1), NPAD - 632 * (NS - 1))

    _rows_copy(lambda r0, n: pltpu.sync_copy(
        z128_hbm.at[pl.ds(r0, n), :], ush.at[pl.ds(r0, n), :]))
    pltpu.sync_copy(v_hbm, vbuf)
    pltpu.sync_copy(c_hbm, cbuf)
    plsc.subcore_barrier()

    lane = lax.iota(jnp.int32, 16)
    perms = [jnp.bitwise_xor(lane, sh) for sh in (8, 4, 2, 1)]
    vv = [vbuf[pl.ds(j * 16, 16)] for j in range(DIM // 16)]
    cbase = cbuf[...]

    def edge_one(e, zacc):
        acc = jnp.zeros((16,), jnp.float32)
        hs = []
        for j in range(DIM // 16):
            sl = pl.ds(j * 16, 16)
            h = jnp.maximum(pbuf[e, sl] + qbuf[e, sl] + rbuf[e, sl], 0.0)
            acc = acc + h * vv[j]
            hs.append(h)
        for perm in perms:
            acc = acc + acc[perm]
        sv = cbase + acc
        sv = jnp.maximum(sv, 0.2 * sv)
        wv = jnp.exp(sv)
        for j in range(DIM // 16):
            mbuf[e, pl.ds(j * 16, 16)] = hs[j] * wv
        return zacc + wv

    def chunk_one(j, zacc):
        base = ebase + j * CHUNK
        pltpu.async_copy(src_hbm.at[pl.ds(base, CHUNK)], isrc, sem)
        pltpu.async_copy(dst_hbm.at[pl.ds(base, CHUNK)], idst, sem)
        pltpu.make_async_copy(src_hbm.at[pl.ds(0, CHUNK)], isrc, sem).wait()
        pltpu.make_async_copy(src_hbm.at[pl.ds(0, CHUNK)], idst, sem).wait()
        pltpu.async_copy(p_hbm.at[isrc], pbuf, sem)
        pltpu.async_copy(qb_hbm.at[idst], qbuf, sem)
        pltpu.async_copy(r_hbm.at[pl.ds(base, CHUNK), :], rbuf, sem)
        pltpu.make_async_copy(p_hbm.at[isrc], pbuf, sem).wait()
        pltpu.make_async_copy(qb_hbm.at[idst], qbuf, sem).wait()
        pltpu.make_async_copy(r_hbm.at[pl.ds(0, CHUNK), :], rbuf, sem).wait()
        zacc = lax.fori_loop(0, CHUNK, edge_one, zacc)
        pltpu.sync_copy(mbuf, ush.at[idst], add=True)
        return zacc

    zacc = lax.fori_loop(0, N_CHUNKS, chunk_one, jnp.zeros((16,), jnp.float32))

    zbuf[...] = zacc
    pltpu.sync_copy(zbuf, z_out.at[c, s, :])

    plsc.subcore_barrier()
    _rows_copy(lambda r0, n: pltpu.sync_copy(
        ush.at[pl.ds(r0, n), :], u_out.at[c, pl.ds(r0, n), :]))



def _fin_body(u2_ref, z_ref, x_ref, w2t_ref, g_ref, b_ref, o_ref):
    z = jnp.sum(z_ref[..., 0])
    u = u2_ref[0][:N_NODES] + u2_ref[1][:N_NODES]
    agg = jnp.dot(u, w2t_ref[...], preferred_element_type=jnp.float32)
    y = x_ref[...] + agg * (1.0 / z)
    mean = jnp.mean(y, axis=1, keepdims=True)
    yc = y - mean
    var = jnp.mean(yc * yc, axis=1, keepdims=True)
    o_ref[...] = yc * lax.rsqrt(var + 1e-5) * g_ref[...] + b_ref[...]


def kernel(x, edge_index, edge_attr, W1, b1, W2, b2, Wa, ba, gamma, beta):
    x = x.astype(jnp.float32)
    src = edge_index[0].astype(jnp.int32)
    dst = edge_index[1].astype(jnp.int32)

    A = W1[:, :DIM]
    B = W1[:, DIM:2 * DIM]
    C = W1[:, 2 * DIM:]
    wpq = jnp.concatenate([B.T, (A - B).T], axis=1)
    bias_pq = jnp.concatenate([jnp.zeros_like(b1), b1])[None, :]
    ct = C.T
    v = W2.T @ Wa[0]
    cconst = jnp.full((16,), b2 @ Wa[0] + ba[0], jnp.float32)
    w2t = W2.T

    p, qb = pl.pallas_call(
        _pq_body,
        out_shape=[jax.ShapeDtypeStruct((N_NODES, DIM), jnp.float32),
                   jax.ShapeDtypeStruct((N_NODES, DIM), jnp.float32)],
    )(x, wpq, bias_pq)

    r = pl.pallas_call(
        _r_body,
        grid=(80,),
        in_specs=[pl.BlockSpec((N_EDGES // 80, EDGE_DIM), lambda i: (i, 0)),
                  pl.BlockSpec((EDGE_DIM, DIM), lambda i: (0, 0))],
        out_specs=pl.BlockSpec((N_EDGES // 80, DIM), lambda i: (i, 0)),
        out_shape=jax.ShapeDtypeStruct((N_EDGES, DIM), jnp.float32),
    )(edge_attr, ct)

    z128 = jnp.zeros((NPAD, DIM), jnp.float32)

    edge_pass = functools.partial(
        pl.kernel,
        out_type=[jax.ShapeDtypeStruct((NC, NPAD, DIM), jnp.float32),
                  jax.ShapeDtypeStruct((NC, NS, 16), jnp.float32)],
        mesh=plsc.VectorSubcoreMesh(core_axis_name="c", subcore_axis_name="s"),
        scratch_types=(
            [pltpu.VMEM((CHUNK,), jnp.int32)] * 2
            + [pltpu.VMEM((CHUNK, DIM), jnp.float32)] * 4
            + [pltpu.VMEM((16,), jnp.float32),
               pltpu.VMEM((DIM,), jnp.float32),
               pltpu.VMEM((16,), jnp.float32),
               pltpu.VMEM_SHARED((NPAD, DIM), jnp.float32)]
            + [pltpu.SemaphoreType.DMA]
        ),
    )(_edge_body)

    u2, zarr = edge_pass(p, qb, r, src, dst, v.astype(jnp.float32), cconst,
                         z128)

    out = pl.pallas_call(
        _fin_body,
        out_shape=jax.ShapeDtypeStruct((N_NODES, DIM), jnp.float32),
    )(u2, zarr, x, w2t, gamma[None, :], beta[None, :])
    return out

# --- scband reference (transcript-rebuilt; emitter-appended) ---
"""Pipeline reference for scband-graph-conv-layer-68822555951393 (READ-ONLY COPY).

The authoritative reference and input builder live on the scoring server;
editing this copy changes nothing except your own understanding.
"""

import jax, jax.numpy as jnp
import numpy as np

N_NODES = 10000
N_EDGES = 320000
IN_DIM = 128
OUT_DIM = 128
EDGE_DIM = 16

def setup_inputs(seed: int = 0) -> dict:
    key = jax.random.key(seed)
    ks = jax.random.split(key, 12)
    x = jax.random.normal(ks[0], (N_NODES, IN_DIM), dtype=jnp.float32)
    edge_index = jax.random.randint(ks[1], (2, N_EDGES), 0, N_NODES, dtype=jnp.int64)
    edge_attr = jax.random.normal(ks[2], (N_EDGES, EDGE_DIM), dtype=jnp.float32)
    fan1 = 2 * IN_DIM + EDGE_DIM
    W1 = jax.random.normal(ks[3], (OUT_DIM, fan1), dtype=jnp.float32) / np.sqrt(fan1)
    b1 = jnp.zeros((OUT_DIM,), dtype=jnp.float32)
    W2 = jax.random.normal(ks[4], (OUT_DIM, OUT_DIM), dtype=jnp.float32) / np.sqrt(OUT_DIM)
    b2 = jnp.zeros((OUT_DIM,), dtype=jnp.float32)
    Wa = jax.random.normal(ks[5], (1, OUT_DIM), dtype=jnp.float32) / np.sqrt(OUT_DIM)
    ba = jnp.zeros((1,), dtype=jnp.float32)
    gamma = jnp.ones((OUT_DIM,), dtype=jnp.float32)
    beta = jnp.zeros((OUT_DIM,), dtype=jnp.float32)
    return {"x": x, "edge_index": edge_index, "edge_attr": edge_attr,
            "W1": W1, "b1": b1, "W2": W2, "b2": b2, "Wa": Wa, "ba": ba,
            "gamma": gamma, "beta": beta}

def _layer_norm(h, gamma, beta, eps=1e-5):
    mean = jnp.mean(h, axis=-1, keepdims=True)
    var = jnp.mean((h - mean) ** 2, axis=-1, keepdims=True)
    return (h - mean) / jnp.sqrt(var + eps) * gamma + beta

def reference(x, edge_index, edge_attr, W1, b1, W2, b2, Wa, ba, gamma, beta):
    src = edge_index[0]
    dst = edge_index[1]
    h_src = jnp.take(x, src, axis=0)
    h_dst = jnp.take(x, dst, axis=0)
    message_input = jnp.concatenate([h_dst, h_src - h_dst, edge_attr], axis=-1)
    hidden = jax.nn.relu(message_input @ W1.T + b1)
    messages = hidden @ W2.T + b2
    attn_scores = jax.nn.leaky_relu(messages @ Wa.T + ba, negative_slope=0.2)
    attn_weights = jax.nn.softmax(attn_scores, axis=0)
    aggregated = jnp.zeros_like(x).at[dst].add(messages * attn_weights)
    out = x + aggregated
    return _layer_norm(out, gamma, beta)

if __name__ == "__main__":
    import jax
    _d = setup_inputs()
    print(jax.jit(kernel)(*tuple(_d.values())))

</pallas_src>

<mosaic_0001>
#map = affine_map<(d0, d1) -> (0, 0)>
#map1 = affine_map<(d0, d1) -> (0)>
#map2 = affine_map<(d0, d1) -> (0, 0, 0)>
module attributes {stable_mosaic.version = 14 : i64} {
  func.func @_edge_body(%arg0: i32, %arg1: i32, %arg2: memref<10000x128xf32, #tpu.memory_space<hbm>>, %arg3: memref<10000x128xf32, #tpu.memory_space<hbm>>, %arg4: memref<320000x128xf32, #tpu.memory_space<hbm>>, %arg5: memref<320000xi32, #tpu.memory_space<hbm>>, %arg6: memref<320000xi32, #tpu.memory_space<hbm>>, %arg7: memref<128xf32, #tpu.memory_space<hbm>>, %arg8: memref<16xf32, #tpu.memory_space<hbm>>, %arg9: memref<10000x128xf32, #tpu.memory_space<hbm>>, %arg10: memref<2x10000x128xf32, #tpu.memory_space<hbm>>, %arg11: memref<2x16x16xf32, #tpu.memory_space<hbm>>, %arg12: memref<80xi32, #tpu.memory_space<vmem>>, %arg13: memref<80xi32, #tpu.memory_space<vmem>>, %arg14: memref<80x128xf32, #tpu.memory_space<vmem>>, %arg15: memref<80x128xf32, #tpu.memory_space<vmem>>, %arg16: memref<80x128xf32, #tpu.memory_space<vmem>>, %arg17: memref<80x128xf32, #tpu.memory_space<vmem>>, %arg18: memref<16xf32, #tpu.memory_space<vmem>>, %arg19: memref<128xf32, #tpu.memory_space<vmem>>, %arg20: memref<16xf32, #tpu.memory_space<vmem>>, %arg21: memref<10000x128xf32, #tpu.memory_space<vmem_shared>>, %arg22: memref<!tpu.dma_semaphore, #tpu.memory_space<semaphore_mem>>) attributes {dimension_semantics = [#tpu.dimension_semantics<core_parallel>, #tpu.dimension_semantics<subcore_parallel>], iteration_bounds = array<i64: 2, 16>, scalar_prefetch = 0 : i64, scratch_operands = 11 : i64, tpu.core_type = #tpu.core_type<sc_vector_subcore>, window_params = [{transform_indices = #map}, {transform_indices = #map}, {transform_indices = #map}, {transform_indices = #map1}, {transform_indices = #map1}, {transform_indices = #map1}, {transform_indices = #map1}, {transform_indices = #map}, {transform_indices = #map2}, {transform_indices = #map2}]} {
    %mul3A = arith.constant 2 : i32
    %mul3A_0 = arith.muli %arg1, %mul3A : i32
    %add3A = arith.addi %mul3A_0, %arg0 : i32
    %mul3A_1 = arith.constant 10000 : i32
    %mul3A_2 = arith.muli %add3A, %mul3A_1 : i32
    %lt3A = arith.constant 15 : i32
    %lt3A_3 = arith.cmpi slt, %arg1, %lt3A : i32
    %convert_element_type3A = arith.extui %lt3A_3 : i1 to i32
    %cond3A = arith.constant 0 : i32
    %cond3A_4 = arith.cmpi ne, %convert_element_type3A, %cond3A : i32
    scf.if %cond3A_4 {
      %mul3A_66 = arith.constant 632 : i32
      %mul3A_67 = arith.muli %arg1, %mul3A_66 : i32
      %multiple_of3A = tpu.assume_multiple %mul3A_67, 8 : i32
      "tpu.region"() ({
        %run_scoped3A = tpu.sem_alloc : memref<!tpu.dma_semaphore, #tpu.memory_space<semaphore_mem>>
        %dma_start3A = arith.constant 0 : i32
        %dma_start3A_68 = tpu.memref_slice %arg21[%multiple_of3A, %dma_start3A] : memref<10000x128xf32, #tpu.memory_space<vmem_shared>> -> memref<632x128xf32, #tpu.memory_space<vmem_shared>>
        %dma_start3A_69 = arith.constant 0 : i32
        %dma_start3A_70 = tpu.memref_slice %arg9[%multiple_of3A, %dma_start3A_69] : memref<10000x128xf32, #tpu.memory_space<hbm>> -> memref<632x128xf32, #tpu.memory_space<hbm>>
        tpu.enqueue_dma source(%dma_start3A_70 : memref<632x128xf32, #tpu.memory_space<hbm>>) target(%dma_start3A_68 : memref<632x128xf32, #tpu.memory_space<vmem_shared>>) target_semaphore(%run_scoped3A : memref<!tpu.dma_semaphore, #tpu.memory_space<semaphore_mem>>)
        %dma_wait3A = arith.constant 0 : i32
        %dma_wait3A_71 = tpu.memref_slice %arg21[%multiple_of3A, %dma_wait3A] : memref<10000x128xf32, #tpu.memory_space<vmem_shared>> -> memref<632x128xf32, #tpu.memory_space<vmem_shared>>
        %dma_wait3A_72 = arith.constant 0 : i32
        %dma_wait3A_73 = tpu.memref_slice %arg9[%multiple_of3A, %dma_wait3A_72] : memref<10000x128xf32, #tpu.memory_space<hbm>> -> memref<632x128xf32, #tpu.memory_space<hbm>>
        tpu.wait_dma2 semaphore(%run_scoped3A : memref<!tpu.dma_semaphore, #tpu.memory_space<semaphore_mem>>) src(%dma_wait3A_73 : memref<632x128xf32, #tpu.memory_space<hbm>>) dst(%dma_wait3A_71 : memref<632x128xf32, #tpu.memory_space<vmem_shared>>)
        tpu.yield
      }) : () -> ()
    } else {
    }
    %eq3A = arith.constant 15 : i32
    %eq3A_5 = arith.cmpi eq, %arg1, %eq3A : i32
    %convert_element_type3A_6 = arith.extui %eq3A_5 : i1 to i32
    %cond3A_7 = arith.constant 0 : i32
    %cond3A_8 = arith.cmpi ne, %convert_element_type3A_6, %cond3A_7 : i32
    scf.if %cond3A_8 {
      "tpu.region"() ({
        %run_scoped3A = tpu.sem_alloc : memref<!tpu.dma_semaphore, #tpu.memory_space<semaphore_mem>>
        %dma_start3A = arith.constant 9480 : i32
        %dma_start3A_66 = arith.constant 0 : i32
        %dma_start3A_67 = tpu.memref_slice %arg21[%dma_start3A, %dma_start3A_66] : memref<10000x128xf32, #tpu.memory_space<vmem_shared>> -> memref<520x128xf32, #tpu.memory_space<vmem_shared>>
        %dma_start3A_68 = arith.constant 9480 : i32
        %dma_start3A_69 = arith.constant 0 : i32
        %dma_start3A_70 = tpu.memref_slice %arg9[%dma_start3A_68, %dma_start3A_69] : memref<10000x128xf32, #tpu.memory_space<hbm>> -> memref<520x128xf32, #tpu.memory_space<hbm>>
        tpu.enqueue_dma source(%dma_start3A_70 : memref<520x128xf32, #tpu.memory_space<hbm>>) target(%dma_start3A_67 : memref<520x128xf32, #tpu.memory_space<vmem_shared>>) target_semaphore(%run_scoped3A : memref<!tpu.dma_semaphore, #tpu.memory_space<semaphore_mem>>)
        %dma_wait3A = arith.constant 9480 : i32
        %dma_wait3A_71 = arith.constant 0 : i32
        %dma_wait3A_72 = tpu.memref_slice %arg21[%dma_wait3A, %dma_wait3A_71] : memref<10000x128xf32, #tpu.memory_space<vmem_shared>> -> memref<520x128xf32, #tpu.memory_space<vmem_shared>>
        %dma_wait3A_73 = arith.constant 9480 : i32
        %dma_wait3A_74 = arith.constant 0 : i32
        %dma_wait3A_75 = tpu.memref_slice %arg9[%dma_wait3A_73, %dma_wait3A_74] : memref<10000x128xf32, #tpu.memory_space<hbm>> -> memref<520x128xf32, #tpu.memory_space<hbm>>
        tpu.wait_dma2 semaphore(%run_scoped3A : memref<!tpu.dma_semaphore, #tpu.memory_space<semaphore_mem>>) src(%dma_wait3A_75 : memref<520x128xf32, #tpu.memory_space<hbm>>) dst(%dma_wait3A_72 : memref<520x128xf32, #tpu.memory_space<vmem_shared>>)
        tpu.yield
      }) : () -> ()
    } else {
    }
    "tpu.region"() ({
      %run_scoped3A = tpu.sem_alloc : memref<!tpu.dma_semaphore, #tpu.memory_space<semaphore_mem>>
      tpu.enqueue_dma source(%arg7 : memref<128xf32, #tpu.memory_space<hbm>>) target(%arg19 : memref<128xf32, #tpu.memory_space<vmem>>) target_semaphore(%run_scoped3A : memref<!tpu.dma_semaphore, #tpu.memory_space<semaphore_mem>>)
      tpu.wait_dma2 semaphore(%run_scoped3A : memref<!tpu.dma_semaphore, #tpu.memory_space<semaphore_mem>>) src(%arg7 : memref<128xf32, #tpu.memory_space<hbm>>) dst(%arg19 : memref<128xf32, #tpu.memory_space<vmem>>)
      tpu.yield
    }) : () -> ()
    "tpu.region"() ({
      %run_scoped3A = tpu.sem_alloc : memref<!tpu.dma_semaphore, #tpu.memory_space<semaphore_mem>>
      tpu.enqueue_dma source(%arg8 : memref<16xf32, #tpu.memory_space<hbm>>) target(%arg20 : memref<16xf32, #tpu.memory_space<vmem>>) target_semaphore(%run_scoped3A : memref<!tpu.dma_semaphore, #tpu.memory_space<semaphore_mem>>)
      tpu.wait_dma2 semaphore(%run_scoped3A : memref<!tpu.dma_semaphore, #tpu.memory_space<semaphore_mem>>) src(%arg8 : memref<16xf32, #tpu.memory_space<hbm>>) dst(%arg20 : memref<16xf32, #tpu.memory_space<vmem>>)
      tpu.yield
    }) : () -> ()
    %barrier3A = arith.constant 0 : index
    tpu.barrier barrier_id(%barrier3A)
    %iota3A = tpu.iota {dimensions = array<i32: 0>} : vector<16xi32>
    %xor3A = arith.constant 8 : i32
    %xor3A_9 = vector.broadcast %xor3A : i32 to vector<16xi32>
    %xor3A_10 = arith.xori %iota3A, %xor3A_9 : vector<16xi32>
    %xor3A_11 = arith.constant 4 : i32
    %xor3A_12 = vector.broadcast %xor3A_11 : i32 to vector<16xi32>
    %xor3A_13 = arith.xori %iota3A, %xor3A_12 : vector<16xi32>
    %xor3A_14 = arith.constant 2 : i32
    %xor3A_15 = vector.broadcast %xor3A_14 : i32 to vector<16xi32>
    %xor3A_16 = arith.xori %iota3A, %xor3A_15 : vector<16xi32>
    %xor3A_17 = arith.constant 1 : i32
    %xor3A_18 = vector.broadcast %xor3A_17 : i32 to vector<16xi32>
    %xor3A_19 = arith.xori %iota3A, %xor3A_18 : vector<16xi32>
    %get3A = arith.constant 0 : index
    %get3A_20 = tpu.vector_load %arg19[%get3A] {strides = array<i32>} : memref<128xf32, #tpu.memory_space<vmem>>, vector<16xf32>,
    %get3A_21 = vector.shape_cast %get3A_20 : vector<16xf32> to vector<16xf32>
    %get3A_22 = arith.constant 16 : index
    %get3A_23 = tpu.vector_load %arg19[%get3A_22] {strides = array<i32>} : memref<128xf32, #tpu.memory_space<vmem>>, vector<16xf32>,
    %get3A_24 = vector.shape_cast %get3A_23 : vector<16xf32> to vector<16xf32>
    %get3A_25 = arith.constant 32 : index
    %get3A_26 = tpu.vector_load %arg19[%get3A_25] {strides = array<i32>} : memref<128xf32, #tpu.memory_space<vmem>>, vector<16xf32>,
    %get3A_27 = vector.shape_cast %get3A_26 : vector<16xf32> to vector<16xf32>
    %get3A_28 = arith.constant 48 : index
    %get3A_29 = tpu.vector_load %arg19[%get3A_28] {strides = array<i32>} : memref<128xf32, #tpu.memory_space<vmem>>, vector<16xf32>,
    %get3A_30 = vector.shape_cast %get3A_29 : vector<16xf32> to vector<16xf32>
    %get3A_31 = arith.constant 64 : index
    %get3A_32 = tpu.vector_load %arg19[%get3A_31] {strides = array<i32>} : memref<128xf32, #tpu.memory_space<vmem>>, vector<16xf32>,
    %get3A_33 = vector.shape_cast %get3A_32 : vector<16xf32> to vector<16xf32>
    %get3A_34 = arith.constant 80 : index
    %get3A_35 = tpu.vector_load %arg19[%get3A_34] {strides = array<i32>} : memref<128xf32, #tpu.memory_space<vmem>>, vector<16xf32>,
    %get3A_36 = vector.shape_cast %get3A_35 : vector<16xf32> to vector<16xf32>
    %get3A_37 = arith.constant 96 : index
    %get3A_38 = tpu.vector_load %arg19[%get3A_37] {strides = array<i32>} : memref<128xf32, #tpu.memory_space<vmem>>, vector<16xf32>,
    %get3A_39 = vector.shape_cast %get3A_38 : vector<16xf32> to vector<16xf32>
    %get3A_40 = arith.constant 112 : index
    %get3A_41 = tpu.vector_load %arg19[%get3A_40] {strides = array<i32>} : memref<128xf32, #tpu.memory_space<vmem>>, vector<16xf32>,
    %get3A_42 = vector.shape_cast %get3A_41 : vector<16xf32> to vector<16xf32>
    %get3A_43 = arith.constant 0 : index
    %get3A_44 = tpu.vector_load %arg20[%get3A_43] {strides = array<i32>} : memref<16xf32, #tpu.memory_space<vmem>>, vector<16xf32>,
    %get3A_45 = vector.shape_cast %get3A_44 : vector<16xf32> to vector<16xf32>
    %broadcast_in_dim3A = arith.constant 0.000000e+00 : f32
    %broadcast_in_dim3A_46 = vector.broadcast %broadcast_in_dim3A : f32 to vector<16xf32>
    %scan3A = arith.constant 0 : i32
    %scan3A_47 = arith.constant 125 : i32
    %scan3A_48 = arith.addi %scan3A, %scan3A_47 : i32
    %scan3A_49 = arith.constant 1 : i32
    %scan3A_50 = scf.for %scan3A_66 = %scan3A to %scan3A_48 step %scan3A_49 iter_args(%scan3A_67 = %broadcast_in_dim3A_46) -> (vector<16xf32>)  : i32 {
      %mul3A_68 = arith.constant 80 : i32
      %mul3A_69 = arith.muli %scan3A_66, %mul3A_68 : i32
      %add3A_70 = arith.addi %mul3A_2, %mul3A_69 : i32
      %dma_start3A = tpu.memref_slice %arg5[%add3A_70] : memref<320000xi32, #tpu.memory_space<hbm>> -> memref<80xi32, #tpu.memory_space<hbm>>
      %dma_start3A_71 = tpu.memref_slice %arg5[%add3A_70] : memref<320000xi32, #tpu.memory_space<hbm>> -> memref<80xi32, #tpu.memory_space<hbm>>
      tpu.enqueue_dma source(%dma_start3A_71 : memref<80xi32, #tpu.memory_space<hbm>>) target(%arg12 : memref<80xi32, #tpu.memory_space<vmem>>) target_semaphore(%arg22 : memref<!tpu.dma_semaphore, #tpu.memory_space<semaphore_mem>>)
      %dma_start3A_72 = tpu.memref_slice %arg6[%add3A_70] : memref<320000xi32, #tpu.memory_space<hbm>> -> memref<80xi32, #tpu.memory_space<hbm>>
      %dma_start3A_73 = tpu.memref_slice %arg6[%add3A_70] : memref<320000xi32, #tpu.memory_space<hbm>> -> memref<80xi32, #tpu.memory_space<hbm>>
      tpu.enqueue_dma source(%dma_start3A_73 : memref<80xi32, #tpu.memory_space<hbm>>) target(%arg13 : memref<80xi32, #tpu.memory_space<vmem>>) target_semaphore(%arg22 : memref<!tpu.dma_semaphore, #tpu.memory_space<semaphore_mem>>)
      %dma_wait3A = arith.constant 0 : i32
      %dma_wait3A_74 = tpu.memref_slice %arg5[%dma_wait3A] : memref<320000xi32, #tpu.memory_space<hbm>> -> memref<80xi32, #tpu.memory_space<hbm>>
      %dma_wait3A_75 = arith.constant 0 : i32
      %dma_wait3A_76 = tpu.memref_slice %arg5[%dma_wait3A_75] : memref<320000xi32, #tpu.memory_space<hbm>> -> memref<80xi32, #tpu.memory_space<hbm>>
      tpu.wait_dma2 semaphore(%arg22 : memref<!tpu.dma_semaphore, #tpu.memory_space<semaphore_mem>>) src(%dma_wait3A_76 : memref<80xi32, #tpu.memory_space<hbm>>) dst(%arg12 : memref<80xi32, #tpu.memory_space<vmem>>)
      %dma_wait3A_77 = arith.constant 0 : i32
      %dma_wait3A_78 = tpu.memref_slice %arg5[%dma_wait3A_77] : memref<320000xi32, #tpu.memory_space<hbm>> -> memref<80xi32, #tpu.memory_space<hbm>>
      %dma_wait3A_79 = arith.constant 0 : i32
      %dma_wait3A_80 = tpu.memref_slice %arg5[%dma_wait3A_79] : memref<320000xi32, #tpu.memory_space<hbm>> -> memref<80xi32, #tpu.memory_space<hbm>>
      tpu.wait_dma2 semaphore(%arg22 : memref<!tpu.dma_semaphore, #tpu.memory_space<semaphore_mem>>) src(%dma_wait3A_80 : memref<80xi32, #tpu.memory_space<hbm>>) dst(%arg13 : memref<80xi32, #tpu.memory_space<vmem>>)
      %dma_start3A_81 = arith.constant 0 : i32
      %dma_start3A_82 = arith.constant 0 : i32
      %dma_start3A_83 = tpu.memref_slice %arg2[%dma_start3A_81, %dma_start3A_82] : memref<10000x128xf32, #tpu.memory_space<hbm>> -> memref<10000x128xf32, #tpu.memory_space<hbm>>
      tpu.enqueue_indirect_dma source(%dma_start3A_83 : memref<10000x128xf32, #tpu.memory_space<hbm>>) target(%arg14 : memref<80x128xf32, #tpu.memory_space<vmem>>) offsets(%arg12 : memref<80xi32, #tpu.memory_space<vmem>>) semaphore(%arg22 : memref<!tpu.dma_semaphore, #tpu.memory_space<semaphore_mem>>)
      %dma_start3A_84 = arith.constant 0 : i32
      %dma_start3A_85 = arith.constant 0 : i32
      %dma_start3A_86 = tpu.memref_slice %arg3[%dma_start3A_84, %dma_start3A_85] : memref<10000x128xf32, #tpu.memory_space<hbm>> -> memref<10000x128xf32, #tpu.memory_space<hbm>>
      tpu.enqueue_indirect_dma source(%dma_start3A_86 : memref<10000x128xf32, #tpu.memory_space<hbm>>) target(%arg15 : memref<80x128xf32, #tpu.memory_space<vmem>>) offsets(%arg13 : memref<80xi32, #tpu.memory_space<vmem>>) semaphore(%arg22 : memref<!tpu.dma_semaphore, #tpu.memory_space<semaphore_mem>>)
      %dma_start3A_87 = arith.constant 0 : i32
      %dma_start3A_88 = tpu.memref_slice %arg4[%add3A_70, %dma_start3A_87] : memref<320000x128xf32, #tpu.memory_space<hbm>> -> memref<80x128xf32, #tpu.memory_space<hbm>>
      %dma_start3A_89 = arith.constant 0 : i32
      %dma_start3A_90 = tpu.memref_slice %arg4[%add3A_70, %dma_start3A_89] : memref<320000x128xf32, #tpu.memory_space<hbm>> -> memref<80x128xf32, #tpu.memory_space<hbm>>
      tpu.enqueue_dma source(%dma_start3A_90 : memref<80x128xf32, #tpu.memory_space<hbm>>) target(%arg16 : memref<80x128xf32, #tpu.memory_space<vmem>>) target_semaphore(%arg22 : memref<!tpu.dma_semaphore, #tpu.memory_space<semaphore_mem>>)
      %dma_wait3A_91 = arith.constant 0 : i32
      %dma_wait3A_92 = arith.constant 0 : i32
      %dma_wait3A_93 = tpu.memref_slice %arg2[%dma_wait3A_91, %dma_wait3A_92] : memref<10000x128xf32, #tpu.memory_space<hbm>> -> memref<10000x128xf32, #tpu.memory_space<hbm>>
      tpu.wait_indirect_dma semaphore(%arg22 : memref<!tpu.dma_semaphore, #tpu.memory_space<semaphore_mem>>) src(%dma_wait3A_93 : memref<10000x128xf32, #tpu.memory_space<hbm>>) dst(%arg14 : memref<80x128xf32, #tpu.memory_space<vmem>>)
      %dma_wait3A_94 = arith.constant 0 : i32
      %dma_wait3A_95 = arith.constant 0 : i32
      %dma_wait3A_96 = tpu.memref_slice %arg3[%dma_wait3A_94, %dma_wait3A_95] : memref<10000x128xf32, #tpu.memory_space<hbm>> -> memref<10000x128xf32, #tpu.memory_space<hbm>>
      tpu.wait_indirect_dma semaphore(%arg22 : memref<!tpu.dma_semaphore, #tpu.memory_space<semaphore_mem>>) src(%dma_wait3A_96 : memref<10000x128xf32, #tpu.memory_space<hbm>>) dst(%arg15 : memref<80x128xf32, #tpu.memory_space<vmem>>)
      %dma_wait3A_97 = arith.constant 0 : i32
      %dma_wait3A_98 = arith.constant 0 : i32
      %dma_wait3A_99 = tpu.memref_slice %arg4[%dma_wait3A_97, %dma_wait3A_98] : memref<320000x128xf32, #tpu.memory_space<hbm>> -> memref<80x128xf32, #tpu.memory_space<hbm>>
      %dma_wait3A_100 = arith.constant 0 : i32
      %dma_wait3A_101 = arith.constant 0 : i32
      %dma_wait3A_102 = tpu.memref_slice %arg4[%dma_wait3A_100, %dma_wait3A_101] : memref<320000x128xf32, #tpu.memory_space<hbm>> -> memref<80x128xf32, #tpu.memory_space<hbm>>
      tpu.wait_dma2 semaphore(%arg22 : memref<!tpu.dma_semaphore, #tpu.memory_space<semaphore_mem>>) src(%dma_wait3A_102 : memref<80x128xf32, #tpu.memory_space<hbm>>) dst(%arg16 : memref<80x128xf32, #tpu.memory_space<vmem>>)
      %scan3A_103 = arith.constant 0 : i32
      %scan3A_104 = arith.constant 80 : i32
      %scan3A_105 = arith.addi %scan3A_103, %scan3A_104 : i32
      %scan3A_106 = arith.constant 1 : i32
      %scan3A_107 = scf.for %scan3A_109 = %scan3A_103 to %scan3A_105 step %scan3A_106 iter_args(%scan3A_110 = %scan3A_67) -> (vector<16xf32>)  : i32 {
        %broadcast_in_dim3A_111 = arith.constant 0.000000e+00 : f32
        %broadcast_in_dim3A_112 = vector.broadcast %broadcast_in_dim3A_111 : f32 to vector<16xf32>
        %get3A_113 = arith.index_cast %scan3A_109 : i32 to index
        %get3A_114 = arith.constant 0 : index
        %get3A_115 = tpu.vector_load %arg14[%get3A_113, %get3A_114] {strides = array<i32>} : memref<80x128xf32, #tpu.memory_space<vmem>>, vector<1x16xf32>,
        %get3A_116 = vector.shape_cast %get3A_115 : vector<1x16xf32> to vector<16xf32>
        %get3A_117 = arith.index_cast %scan3A_109 : i32 to index
        %get3A_118 = arith.constant 0 : index
        %get3A_119 = tpu.vector_load %arg15[%get3A_117, %get3A_118] {strides = array<i32>} : memref<80x128xf32, #tpu.memory_space<vmem>>, vector<1x16xf32>,
        %get3A_120 = vector.shape_cast %get3A_119 : vector<1x16xf32> to vector<16xf32>
        %add3A_121 = arith.addf %get3A_116, %get3A_120 : vector<16xf32>
        %get3A_122 = arith.index_cast %scan3A_109 : i32 to index
        %get3A_123 = arith.constant 0 : index
        %get3A_124 = tpu.vector_load %arg16[%get3A_122, %get3A_123] {strides = array<i32>} : memref<80x128xf32, #tpu.memory_space<vmem>>, vector<1x16xf32>,
        %get3A_125 = vector.shape_cast %get3A_124 : vector<1x16xf32> to vector<16xf32>
        %add3A_126 = arith.addf %add3A_121, %get3A_125 : vector<16xf32>
        %max3A = arith.constant 0.000000e+00 : f32
        %max3A_127 = vector.broadcast %max3A : f32 to vector<16xf32>
        %max3A_128 = arith.maximumf %add3A_126, %max3A_127 : vector<16xf32>
        %mul3A_129 = arith.mulf %max3A_128, %get3A_21 : vector<16xf32>
        %add3A_130 = arith.addf %broadcast_in_dim3A_112, %mul3A_129 : vector<16xf32>
        %get3A_131 = arith.index_cast %scan3A_109 : i32 to index
        %get3A_132 = arith.constant 16 : index
        %get3A_133 = tpu.vector_load %arg14[%get3A_131, %get3A_132] {strides = array<i32>} : memref<80x128xf32, #tpu.memory_space<vmem>>, vector<1x16xf32>,
        %get3A_134 = vector.shape_cast %get3A_133 : vector<1x16xf32> to vector<16xf32>
        %get3A_135 = arith.index_cast %scan3A_109 : i32 to index
        %get3A_136 = arith.constant 16 : index
        %get3A_137 = tpu.vector_load %arg15[%get3A_135, %get3A_136] {strides = array<i32>} : memref<80x128xf32, #tpu.memory_space<vmem>>, vector<1x16xf32>,
        %get3A_138 = vector.shape_cast %get3A_137 : vector<1x16xf32> to vector<16xf32>
        %add3A_139 = arith.addf %get3A_134, %get3A_138 : vector<16xf32>
        %get3A_140 = arith.index_cast %scan3A_109 : i32 to index
        %get3A_141 = arith.constant 16 : index
        %get3A_142 = tpu.vector_load %arg16[%get3A_140, %get3A_141] {strides = array<i32>} : memref<80x128xf32, #tpu.memory_space<vmem>>, vector<1x16xf32>,
        %get3A_143 = vector.shape_cast %get3A_142 : vector<1x16xf32> to vector<16xf32>
        %add3A_144 = arith.addf %add3A_139, %get3A_143 : vector<16xf32>
        %max3A_145 = arith.constant 0.000000e+00 : f32
        %max3A_146 = vector.broadcast %max3A_145 : f32 to vector<16xf32>
        %max3A_147 = arith.maximumf %add3A_144, %max3A_146 : vector<16xf32>
        %mul3A_148 = arith.mulf %max3A_147, %get3A_24 : vector<16xf32>
        %add3A_149 = arith.addf %add3A_130, %mul3A_148 : vector<16xf32>
        %get3A_150 = arith.index_cast %scan3A_109 : i32 to index
        %get3A_151 = arith.constant 32 : index
        %get3A_152 = tpu.vector_load %arg14[%get3A_150, %get3A_151] {strides = array<i32>} : memref<80x128xf32, #tpu.memory_space<vmem>>, vector<1x16xf32>,
        %get3A_153 = vector.shape_cast %get3A_152 : vector<1x16xf32> to vector<16xf32>
        %get3A_154 = arith.index_cast %scan3A_109 : i32 to index
        %get3A_155 = arith.constant 32 : index
        %get3A_156 = tpu.vector_load %arg15[%get3A_154, %get3A_155] {strides = array<i32>} : memref<80x128xf32, #tpu.memory_space<vmem>>, vector<1x16xf32>,
        %get3A_157 = vector.shape_cast %get3A_156 : vector<1x16xf32> to vector<16xf32>
        %add3A_158 = arith.addf %get3A_153, %get3A_157 : vector<16xf32>
        %get3A_159 = arith.index_cast %scan3A_109 : i32 to index
        %get3A_160 = arith.constant 32 : index
        %get3A_161 = tpu.vector_load %arg16[%get3A_159, %get3A_160] {strides = array<i32>} : memref<80x128xf32, #tpu.memory_space<vmem>>, vector<1x16xf32>,
        %get3A_162 = vector.shape_cast %get3A_161 : vector<1x16xf32> to vector<16xf32>
        %add3A_163 = arith.addf %add3A_158, %get3A_162 : vector<16xf32>
        %max3A_164 = arith.constant 0.000000e+00 : f32
        %max3A_165 = vector.broadcast %max3A_164 : f32 to vector<16xf32>
        %max3A_166 = arith.maximumf %add3A_163, %max3A_165 : vector<16xf32>
        %mul3A_167 = arith.mulf %max3A_166, %get3A_27 : vector<16xf32>
        %add3A_168 = arith.addf %add3A_149, %mul3A_167 : vector<16xf32>
        %get3A_169 = arith.index_cast %scan3A_109 : i32 to index
        %get3A_170 = arith.constant 48 : index
        %get3A_171 = tpu.vector_load %arg14[%get3A_169, %get3A_170] {strides = array<i32>} : memref<80x128xf32, #tpu.memory_space<vmem>>, vector<1x16xf32>,
        %get3A_172 = vector.shape_cast %get3A_171 : vector<1x16xf32> to vector<16xf32>
        %get3A_173 = arith.index_cast %scan3A_109 : i32 to index
        %get3A_174 = arith.constant 48 : index
        %get3A_175 = tpu.vector_load %arg15[%get3A_173, %get3A_174] {strides = array<i32>} : memref<80x128xf32, #tpu.memory_space<vmem>>, vector<1x16xf32>,
        %get3A_176 = vector.shape_cast %get3A_175 : vector<1x16xf32> to vector<16xf32>
        %add3A_177 = arith.addf %get3A_172, %get3A_176 : vector<16xf32>
        %get3A_178 = arith.index_cast %scan3A_109 : i32 to index
        %get3A_179 = arith.constant 48 : index
        %get3A_180 = tpu.vector_load %arg16[%get3A_178, %get3A_179] {strides = array<i32>} : memref<80x128xf32, #tpu.memory_space<vmem>>, vector<1x16xf32>,
        %get3A_181 = vector.shape_cast %get3A_180 : vector<1x16xf32> to vector<16xf32>
        %add3A_182 = arith.addf %add3A_177, %get3A_181 : vector<16xf32>
        %max3A_183 = arith.constant 0.000000e+00 : f32
        %max3A_184 = vector.broadcast %max3A_183 : f32 to vector<16xf32>
        %max3A_185 = arith.maximumf %add3A_182, %max3A_184 : vector<16xf32>
        %mul3A_186 = arith.mulf %max3A_185, %get3A_30 : vector<16xf32>
        %add3A_187 = arith.addf %add3A_168, %mul3A_186 : vector<16xf32>
        %get3A_188 = arith.index_cast %scan3A_109 : i32 to index
        %get3A_189 = arith.constant 64 : index
        %get3A_190 = tpu.vector_load %arg14[%get3A_188, %get3A_189] {strides = array<i32>} : memref<80x128xf32, #tpu.memory_space<vmem>>, vector<1x16xf32>,
        %get3A_191 = vector.shape_cast %get3A_190 : vector<1x16xf32> to vector<16xf32>
        %get3A_192 = arith.index_cast %scan3A_109 : i32 to index
        %get3A_193 = arith.constant 64 : index
        %get3A_194 = tpu.vector_load %arg15[%get3A_192, %get3A_193] {strides = array<i32>} : memref<80x128xf32, #tpu.memory_space<vmem>>, vector<1x16xf32>,
        %get3A_195 = vector.shape_cast %get3A_194 : vector<1x16xf32> to vector<16xf32>
        %add3A_196 = arith.addf %get3A_191, %get3A_195 : vector<16xf32>
        %get3A_197 = arith.index_cast %scan3A_109 : i32 to index
        %get3A_198 = arith.constant 64 : index
        %get3A_199 = tpu.vector_load %arg16[%get3A_197, %get3A_198] {strides = array<i32>} : memref<80x128xf32, #tpu.memory_space<vmem>>, vector<1x16xf32>,
        %get3A_200 = vector.shape_cast %get3A_199 : vector<1x16xf32> to vector<16xf32>
        %add3A_201 = arith.addf %add3A_196, %get3A_200 : vector<16xf32>
        %max3A_202 = arith.constant 0.000000e+00 : f32
        %max3A_203 = vector.broadcast %max3A_202 : f32 to vector<16xf32>
        %max3A_204 = arith.maximumf %add3A_201, %max3A_203 : vector<16xf32>
        %mul3A_205 = arith.mulf %max3A_204, %get3A_33 : vector<16xf32>
        %add3A_206 = arith.addf %add3A_187, %mul3A_205 : vector<16xf32>
        %get3A_207 = arith.index_cast %scan3A_109 : i32 to index
        %get3A_208 = arith.constant 80 : index
        %get3A_209 = tpu.vector_load %arg14[%get3A_207, %get3A_208] {strides = array<i32>} : memref<80x128xf32, #tpu.memory_space<vmem>>, vector<1x16xf32>,
        %get3A_210 = vector.shape_cast %get3A_209 : vector<1x16xf32> to vector<16xf32>
        %get3A_211 = arith.index_cast %scan3A_109 : i32 to index
        %get3A_212 = arith.constant 80 : index
        %get3A_213 = tpu.vector_load %arg15[%get3A_211, %get3A_212] {strides = array<i32>} : memref<80x128xf32, #tpu.memory_space<vmem>>, vector<1x16xf32>,
        %get3A_214 = vector.shape_cast %get3A_213 : vector<1x16xf32> to vector<16xf32>
        %add3A_215 = arith.addf %get3A_210, %get3A_214 : vector<16xf32>
        %get3A_216 = arith.index_cast %scan3A_109 : i32 to index
        %get3A_217 = arith.constant 80 : index
        %get3A_218 = tpu.vector_load %arg16[%get3A_216, %get3A_217] {strides = array<i32>} : memref<80x128xf32, #tpu.memory_space<vmem>>, vector<1x16xf32>,
        %get3A_219 = vector.shape_cast %get3A_218 : vector<1x16xf32> to vector<16xf32>
        %add3A_220 = arith.addf %add3A_215, %get3A_219 : vector<16xf32>
        %max3A_221 = arith.constant 0.000000e+00 : f32
        %max3A_222 = vector.broadcast %max3A_221 : f32 to vector<16xf32>
        %max3A_223 = arith.maximumf %add3A_220, %max3A_222 : vector<16xf32>
        %mul3A_224 = arith.mulf %max3A_223, %get3A_36 : vector<16xf32>
        %add3A_225 = arith.addf %add3A_206, %mul3A_224 : vector<16xf32>
        %get3A_226 = arith.index_cast %scan3A_109 : i32 to index
        %get3A_227 = arith.constant 96 : index
        %get3A_228 = tpu.vector_load %arg14[%get3A_226, %get3A_227] {strides = array<i32>} : memref<80x128xf32, #tpu.memory_space<vmem>>, vector<1x16xf32>,
        %get3A_229 = vector.shape_cast %get3A_228 : vector<1x16xf32> to vector<16xf32>
        %get3A_230 = arith.index_cast %scan3A_109 : i32 to index
        %get3A_231 = arith.constant 96 : index
        %get3A_232 = tpu.vector_load %arg15[%get3A_230, %get3A_231] {strides = array<i32>} : memref<80x128xf32, #tpu.memory_space<vmem>>, vector<1x16xf32>,
        %get3A_233 = vector.shape_cast %get3A_232 : vector<1x16xf32> to vector<16xf32>
        %add3A_234 = arith.addf %get3A_229, %get3A_233 : vector<16xf32>
        %get3A_235 = arith.index_cast %scan3A_109 : i32 to index
        %get3A_236 = arith.constant 96 : index
        %get3A_237 = tpu.vector_load %arg16[%get3A_235, %get3A_236] {strides = array<i32>} : memref<80x128xf32, #tpu.memory_space<vmem>>, vector<1x16xf32>,
        %get3A_238 = vector.shape_cast %get3A_237 : vector<1x16xf32> to vector<16xf32>
        %add3A_239 = arith.addf %add3A_234, %get3A_238 : vector<16xf32>
        %max3A_240 = arith.constant 0.000000e+00 : f32
        %max3A_241 = vector.broadcast %max3A_240 : f32 to vector<16xf32>
        %max3A_242 = arith.maximumf %add3A_239, %max3A_241 : vector<16xf32>
        %mul3A_243 = arith.mulf %max3A_242, %get3A_39 : vector<16xf32>
        %add3A_244 = arith.addf %add3A_225, %mul3A_243 : vector<16xf32>
        %get3A_245 = arith.index_cast %scan3A_109 : i32 to index
        %get3A_246 = arith.constant 112 : index
        %get3A_247 = tpu.vector_load %arg14[%get3A_245, %get3A_246] {strides = array<i32>} : memref<80x128xf32, #tpu.memory_space<vmem>>, vector<1x16xf32>,
        %get3A_248 = vector.shape_cast %get3A_247 : vector<1x16xf32> to vector<16xf32>
        %get3A_249 = arith.index_cast %scan3A_109 : i32 to index
        %get3A_250 = arith.constant 112 : index
        %get3A_251 = tpu.vector_load %arg15[%get3A_249, %get3A_250] {strides = array<i32>} : memref<80x128xf32, #tpu.memory_space<vmem>>, vector<1x16xf32>,
        %get3A_252 = vector.shape_cast %get3A_251 : vector<1x16xf32> to vector<16xf32>
        %add3A_253 = arith.addf %get3A_248, %get3A_252 : vector<16xf32>
        %get3A_254 = arith.index_cast %scan3A_109 : i32 to index
        %get3A_255 = arith.constant 112 : index
        %get3A_256 = tpu.vector_load %arg16[%get3A_254, %get3A_255] {strides = array<i32>} : memref<80x128xf32, #tpu.memory_space<vmem>>, vector<1x16xf32>,
        %get3A_257 = vector.shape_cast %get3A_256 : vector<1x16xf32> to vector<16xf32>
        %add3A_258 = arith.addf %add3A_253, %get3A_257 : vector<16xf32>
        %max3A_259 = arith.constant 0.000000e+00 : f32
        %max3A_260 = vector.broadcast %max3A_259 : f32 to vector<16xf32>
        %max3A_261 = arith.maximumf %add3A_258, %max3A_260 : vector<16xf32>
        %mul3A_262 = arith.mulf %max3A_261, %get3A_42 : vector<16xf32>
        %add3A_263 = arith.addf %add3A_244, %mul3A_262 : vector<16xf32>
        %lt3A_264 = arith.constant 0 : i32
        %lt3A_265 = vector.broadcast %lt3A_264 : i32 to vector<16xi32>
        %lt3A_266 = arith.cmpi slt, %xor3A_10, %lt3A_265 : vector<16xi32>
        %add3A_267 = arith.constant 16 : i32
        %add3A_268 = vector.broadcast %add3A_267 : i32 to vector<16xi32>
        %add3A_269 = arith.addi %xor3A_10, %add3A_268 : vector<16xi32>
        %select_n3A = arith.select %lt3A_266, %add3A_269, %xor3A_10 : vector<16xi1>, vector<16xi32>
        %broadcast_in_dim3A_270 = vector.shape_cast %select_n3A : vector<16xi32> to vector<16x1xi32>
        %gather3A = vector.shape_cast %broadcast_in_dim3A_270 : vector<16x1xi32> to vector<16xi32>
        %gather3A_271 = tpu.dynamic_gather %add3A_263[%gather3A] in [0] : vector<16xf32>, vector<16xi32> -> vector<16xf32>
        %add3A_272 = arith.addf %add3A_263, %gather3A_271 : vector<16xf32>
        %lt3A_273 = arith.constant 0 : i32
        %lt3A_274 = vector.broadcast %lt3A_273 : i32 to vector<16xi32>
        %lt3A_275 = arith.cmpi slt, %xor3A_13, %lt3A_274 : vector<16xi32>
        %add3A_276 = arith.constant 16 : i32
        %add3A_277 = vector.broadcast %add3A_276 : i32 to vector<16xi32>
        %add3A_278 = arith.addi %xor3A_13, %add3A_277 : vector<16xi32>
        %select_n3A_279 = arith.select %lt3A_275, %add3A_278, %xor3A_13 : vector<16xi1>, vector<16xi32>
        %broadcast_in_dim3A_280 = vector.shape_cast %select_n3A_279 : vector<16xi32> to vector<16x1xi32>
        %gather3A_281 = vector.shape_cast %broadcast_in_dim3A_280 : vector<16x1xi32> to vector<16xi32>
        %gather3A_282 = tpu.dynamic_gather %add3A_272[%gather3A_281] in [0] : vector<16xf32>, vector<16xi32> -> vector<16xf32>
        %add3A_283 = arith.addf %add3A_272, %gather3A_282 : vector<16xf32>
        %lt3A_284 = arith.constant 0 : i32
        %lt3A_285 = vector.broadcast %lt3A_284 : i32 to vector<16xi32>
        %lt3A_286 = arith.cmpi slt, %xor3A_16, %lt3A_285 : vector<16xi32>
        %add3A_287 = arith.constant 16 : i32
        %add3A_288 = vector.broadcast %add3A_287 : i32 to vector<16xi32>
        %add3A_289 = arith.addi %xor3A_16, %add3A_288 : vector<16xi32>
        %select_n3A_290 = arith.select %lt3A_286, %add3A_289, %xor3A_16 : vector<16xi1>, vector<16xi32>
        %broadcast_in_dim3A_291 = vector.shape_cast %select_n3A_290 : vector<16xi32> to vector<16x1xi32>
        %gather3A_292 = vector.shape_cast %broadcast_in_dim3A_291 : vector<16x1xi32> to vector<16xi32>
        %gather3A_293 = tpu.dynamic_gather %add3A_283[%gather3A_292] in [0] : vector<16xf32>, vector<16xi32> -> vector<16xf32>
        %add3A_294 = arith.addf %add3A_283, %gather3A_293 : vector<16xf32>
        %lt3A_295 = arith.constant 0 : i32
        %lt3A_296 = vector.broadcast %lt3A_295 : i32 to vector<16xi32>
        %lt3A_297 = arith.cmpi slt, %xor3A_19, %lt3A_296 : vector<16xi32>
        %add3A_298 = arith.constant 16 : i32
        %add3A_299 = vector.broadcast %add3A_298 : i32 to vector<16xi32>
        %add3A_300 = arith.addi %xor3A_19, %add3A_299 : vector<16xi32>
        %select_n3A_301 = arith.select %lt3A_297, %add3A_300, %xor3A_19 : vector<16xi1>, vector<16xi32>
        %broadcast_in_dim3A_302 = vector.shape_cast %select_n3A_301 : vector<16xi32> to vector<16x1xi32>
        %gather3A_303 = vector.shape_cast %broadcast_in_dim3A_302 : vector<16x1xi32> to vector<16xi32>
        %gather3A_304 = tpu.dynamic_gather %add3A_294[%gather3A_303] in [0] : vector<16xf32>, vector<16xi32> -> vector<16xf32>
        %add3A_305 = arith.addf %add3A_294, %gather3A_304 : vector<16xf32>
        %add3A_306 = arith.addf %get3A_45, %add3A_305 : vector<16xf32>
        %mul3A_307 = arith.constant 2.000000e-01 : f32
        %mul3A_308 = vector.broadcast %mul3A_307 : f32 to vector<16xf32>
        %mul3A_309 = arith.mulf %mul3A_308, %add3A_306 : vector<16xf32>
        %max3A_310 = arith.maximumf %add3A_306, %mul3A_309 : vector<16xf32>
        %exp3A = math.exp %max3A_310 : vector<16xf32>
        %mul3A_311 = arith.mulf %max3A_128, %exp3A : vector<16xf32>
        %swap3A_312 = arith.index_cast %scan3A_109 : i32 to index
        %swap3A_313 = arith.constant 0 : index
        %swap3A_314 = tpu.vector_load %arg17[%swap3A_312, %swap3A_313] {strides = array<i32>} : memref<80x128xf32, #tpu.memory_space<vmem>>, vector<1x16xf32>,
        %swap3A_315 = vector.shape_cast %swap3A_314 : vector<1x16xf32> to vector<16xf32>
        %swap3A_316 = vector.shape_cast %mul3A_311 : vector<16xf32> to vector<1x16xf32>
        tpu.vector_store %arg17[%swap3A_312, %swap3A_313], %swap3A_316 {strides = array<i32>} : memref<80x128xf32, #tpu.memory_space<vmem>>, vector<1x16xf32>,
        %mul3A_317 = arith.mulf %max3A_147, %exp3A : vector<16xf32>
        %swap3A_318 = arith.index_cast %scan3A_109 : i32 to index
        %swap3A_319 = arith.constant 16 : index
        %swap3A_320 = tpu.vector_load %arg17[%swap3A_318, %swap3A_319] {strides = array<i32>} : memref<80x128xf32, #tpu.memory_space<vmem>>, vector<1x16xf32>,
        %swap3A_321 = vector.shape_cast %swap3A_320 : vector<1x16xf32> to vector<16xf32>
        %swap3A_322 = vector.shape_cast %mul3A_317 : vector<16xf32> to vector<1x16xf32>
        tpu.vector_store %arg17[%swap3A_318, %swap3A_319], %swap3A_322 {strides = array<i32>} : memref<80x128xf32, #tpu.memory_space<vmem>>, vector<1x16xf32>,
        %mul3A_323 = arith.mulf %max3A_166, %exp3A : vector<16xf32>
        %swap3A_324 = arith.index_cast %scan3A_109 : i32 to index
        %swap3A_325 = arith.constant 32 : index
        %swap3A_326 = tpu.vector_load %arg17[%swap3A_324, %swap3A_325] {strides = array<i32>} : memref<80x128xf32, #tpu.memory_space<vmem>>, vector<1x16xf32>,
        %swap3A_327 = vector.shape_cast %swap3A_326 : vector<1x16xf32> to vector<16xf32>
        %swap3A_328 = vector.shape_cast %mul3A_323 : vector<16xf32> to vector<1x16xf32>
        tpu.vector_store %arg17[%swap3A_324, %swap3A_325], %swap3A_328 {strides = array<i32>} : memref<80x128xf32, #tpu.memory_space<vmem>>, vector<1x16xf32>,
        %mul3A_329 = arith.mulf %max3A_185, %exp3A : vector<16xf32>
        %swap3A_330 = arith.index_cast %scan3A_109 : i32 to index
        %swap3A_331 = arith.constant 48 : index
        %swap3A_332 = tpu.vector_load %arg17[%swap3A_330, %swap3A_331] {strides = array<i32>} : memref<80x128xf32, #tpu.memory_space<vmem>>, vector<1x16xf32>,
        %swap3A_333 = vector.shape_cast %swap3A_332 : vector<1x16xf32> to vector<16xf32>
        %swap3A_334 = vector.shape_cast %mul3A_329 : vector<16xf32> to vector<1x16xf32>
        tpu.vector_store %arg17[%swap3A_330, %swap3A_331], %swap3A_334 {strides = array<i32>} : memref<80x128xf32, #tpu.memory_space<vmem>>, vector<1x16xf32>,
        %mul3A_335 = arith.mulf %max3A_204, %exp3A : vector<16xf32>
        %swap3A_336 = arith.index_cast %scan3A_109 : i32 to index
        %swap3A_337 = arith.constant 64 : index
        %swap3A_338 = tpu.vector_load %arg17[%swap3A_336, %swap3A_337] {strides = array<i32>} : memref<80x128xf32, #tpu.memory_space<vmem>>, vector<1x16xf32>,
        %swap3A_339 = vector.shape_cast %swap3A_338 : vector<1x16xf32> to vector<16xf32>
        %swap3A_340 = vector.shape_cast %mul3A_335 : vector<16xf32> to vector<1x16xf32>
        tpu.vector_store %arg17[%swap3A_336, %swap3A_337], %swap3A_340 {strides = array<i32>} : memref<80x128xf32, #tpu.memory_space<vmem>>, vector<1x16xf32>,
        %mul3A_341 = arith.mulf %max3A_223, %exp3A : vector<16xf32>
        %swap3A_342 = arith.index_cast %scan3A_109 : i32 to index
        %swap3A_343 = arith.constant 80 : index
        %swap3A_344 = tpu.vector_load %arg17[%swap3A_342, %swap3A_343] {strides = array<i32>} : memref<80x128xf32, #tpu.memory_space<vmem>>, vector<1x16xf32>,
        %swap3A_345 = vector.shape_cast %swap3A_344 : vector<1x16xf32> to vector<16xf32>
        %swap3A_346 = vector.shape_cast %mul3A_341 : vector<16xf32> to vector<1x16xf32>
        tpu.vector_store %arg17[%swap3A_342, %swap3A_343], %swap3A_346 {strides = array<i32>} : memref<80x128xf32, #tpu.memory_space<vmem>>, vector<1x16xf32>,
        %mul3A_347 = arith.mulf %max3A_242, %exp3A : vector<16xf32>
        %swap3A_348 = arith.index_cast %scan3A_109 : i32 to index
        %swap3A_349 = arith.constant 96 : index
        %swap3A_350 = tpu.vector_load %arg17[%swap3A_348, %swap3A_349] {strides = array<i32>} : memref<80x128xf32, #tpu.memory_space<vmem>>, vector<1x16xf32>,
        %swap3A_351 = vector.shape_cast %swap3A_350 : vector<1x16xf32> to vector<16xf32>
        %swap3A_352 = vector.shape_cast %mul3A_347 : vector<16xf32> to vector<1x16xf32>
        tpu.vector_store %arg17[%swap3A_348, %swap3A_349], %swap3A_352 {strides = array<i32>} : memref<80x128xf32, #tpu.memory_space<vmem>>, vector<1x16xf32>,
        %mul3A_353 = arith.mulf %max3A_261, %exp3A : vector<16xf32>
        %swap3A_354 = arith.index_cast %scan3A_109 : i32 to index
        %swap3A_355 = arith.constant 112 : index
        %swap3A_356 = tpu.vector_load %arg17[%swap3A_354, %swap3A_355] {strides = array<i32>} : memref<80x128xf32, #tpu.memory_space<vmem>>, vector<1x16xf32>,
        %swap3A_357 = vector.shape_cast %swap3A_356 : vector<1x16xf32> to vector<16xf32>
        %swap3A_358 = vector.shape_cast %mul3A_353 : vector<16xf32> to vector<1x16xf32>
        tpu.vector_store %arg17[%swap3A_354, %swap3A_355], %swap3A_358 {strides = array<i32>} : memref<80x128xf32, #tpu.memory_space<vmem>>, vector<1x16xf32>,
        %add3A_359 = arith.addf %scan3A_110, %exp3A : vector<16xf32>
        scf.yield %add3A_359 : vector<16xf32>
      }
      %scan3A_108 = arith.constant 80 : i32
      "tpu.region"() ({
        %run_scoped3A = tpu.sem_alloc : memref<!tpu.dma_semaphore, #tpu.memory_space<semaphore_mem>>
        %dma_start3A_109 = arith.constant 0 : i32
        %dma_start3A_110 = arith.constant 0 : i32
        %dma_start3A_111 = tpu.memref_slice %arg21[%dma_start3A_109, %dma_start3A_110] : memref<10000x128xf32, #tpu.memory_space<vmem_shared>> -> memref<10000x128xf32, #tpu.memory_space<vmem_shared>>
        tpu.enqueue_indirect_dma source(%arg17 : memref<80x128xf32, #tpu.memory_space<vmem>>) target(%dma_start3A_111 : memref<10000x128xf32, #tpu.memory_space<vmem_shared>>) offsets(%arg13 : memref<80xi32, #tpu.memory_space<vmem>>) semaphore(%run_scoped3A : memref<!tpu.dma_semaphore, #tpu.memory_space<semaphore_mem>>) {add = true}
        %dma_wait3A_112 = arith.constant 0 : i32
        %dma_wait3A_113 = arith.constant 0 : i32
        %dma_wait3A_114 = tpu.memref_slice %arg21[%dma_wait3A_112, %dma_wait3A_113] : memref<10000x128xf32, #tpu.memory_space<vmem_shared>> -> memref<10000x128xf32, #tpu.memory_space<vmem_shared>>
        tpu.wait_indirect_dma semaphore(%run_scoped3A : memref<!tpu.dma_semaphore, #tpu.memory_space<semaphore_mem>>) src(%arg17 : memref<80x128xf32, #tpu.memory_space<vmem>>) dst(%dma_wait3A_114 : memref<10000x128xf32, #tpu.memory_space<vmem_shared>>)
        tpu.yield
      }) : () -> ()
      scf.yield %scan3A_107 : vector<16xf32>
    }
    %scan3A_51 = arith.constant 125 : i32
    %swap3A = arith.constant 0 : index
    %swap3A_52 = tpu.vector_load %arg18[%swap3A] {strides = array<i32>} : memref<16xf32, #tpu.memory_space<vmem>>, vector<16xf32>,
    %swap3A_53 = vector.shape_cast %swap3A_52 : vector<16xf32> to vector<16xf32>
    %swap3A_54 = vector.shape_cast %scan3A_50 : vector<16xf32> to vector<16xf32>
    tpu.vector_store %arg18[%swap3A], %swap3A_54 {strides = array<i32>} : memref<16xf32, #tpu.memory_space<vmem>>, vector<16xf32>,
    "tpu.region"() ({
      %run_scoped3A = tpu.sem_alloc : memref<!tpu.dma_semaphore, #tpu.memory_space<semaphore_mem>>
      %dma_start3A = arith.constant 0 : i32
      %dma_start3A_66 = tpu.memref_slice %arg11[%arg0, %arg1, %dma_start3A] : memref<2x16x16xf32, #tpu.memory_space<hbm>> -> memref<1x1x16xf32, #tpu.memory_space<hbm>>
      %dma_start3A_67 = tpu.memref_squeeze %dma_start3A_66 : memref<1x1x16xf32, #tpu.memory_space<hbm>> -> memref<16xf32, #tpu.memory_space<hbm>>
      %dma_start3A_68 = arith.constant 0 : i32
      %dma_start3A_69 = tpu.memref_slice %arg11[%arg0, %arg1, %dma_start3A_68] : memref<2x16x16xf32, #tpu.memory_space<hbm>> -> memref<1x1x16xf32, #tpu.memory_space<hbm>>
      %dma_start3A_70 = tpu.memref_squeeze %dma_start3A_69 : memref<1x1x16xf32, #tpu.memory_space<hbm>> -> memref<16xf32, #tpu.memory_space<hbm>>
      tpu.enqueue_dma source(%arg18 : memref<16xf32, #tpu.memory_space<vmem>>) target(%dma_start3A_70 : memref<16xf32, #tpu.memory_space<hbm>>) target_semaphore(%run_scoped3A : memref<!tpu.dma_semaphore, #tpu.memory_space<semaphore_mem>>)
      %dma_wait3A = arith.constant 0 : i32
      %dma_wait3A_71 = tpu.memref_slice %arg11[%arg0, %arg1, %dma_wait3A] : memref<2x16x16xf32, #tpu.memory_space<hbm>> -> memref<1x1x16xf32, #tpu.memory_space<hbm>>
      %dma_wait3A_72 = tpu.memref_squeeze %dma_wait3A_71 : memref<1x1x16xf32, #tpu.memory_space<hbm>> -> memref<16xf32, #tpu.memory_space<hbm>>
      %dma_wait3A_73 = arith.constant 0 : i32
      %dma_wait3A_74 = tpu.memref_slice %arg11[%arg0, %arg1, %dma_wait3A_73] : memref<2x16x16xf32, #tpu.memory_space<hbm>> -> memref<1x1x16xf32, #tpu.memory_space<hbm>>
      %dma_wait3A_75 = tpu.memref_squeeze %dma_wait3A_74 : memref<1x1x16xf32, #tpu.memory_space<hbm>> -> memref<16xf32, #tpu.memory_space<hbm>>
      tpu.wait_dma2 semaphore(%run_scoped3A : memref<!tpu.dma_semaphore, #tpu.memory_space<semaphore_mem>>) src(%arg18 : memref<16xf32, #tpu.memory_space<vmem>>) dst(%dma_wait3A_75 : memref<16xf32, #tpu.memory_space<hbm>>)
      tpu.yield
    }) : () -> ()
    %barrier3A_55 = arith.constant 0 : index
    tpu.barrier barrier_id(%barrier3A_55)
    %lt3A_56 = arith.constant 15 : i32
    %lt3A_57 = arith.cmpi slt, %arg1, %lt3A_56 : i32
    %convert_element_type3A_58 = arith.extui %lt3A_57 : i1 to i32
    %cond3A_59 = arith.constant 0 : i32
    %cond3A_60 = arith.cmpi ne, %convert_element_type3A_58, %cond3A_59 : i32
    scf.if %cond3A_60 {
      %mul3A_66 = arith.constant 632 : i32
      %mul3A_67 = arith.muli %arg1, %mul3A_66 : i32
      %multiple_of3A = tpu.assume_multiple %mul3A_67, 8 : i32
      "tpu.region"() ({
        %run_scoped3A = tpu.sem_alloc : memref<!tpu.dma_semaphore, #tpu.memory_space<semaphore_mem>>
        %dma_start3A = arith.constant 0 : i32
        %dma_start3A_68 = tpu.memref_slice %arg10[%arg0, %multiple_of3A, %dma_start3A] : memref<2x10000x128xf32, #tpu.memory_space<hbm>> -> memref<1x632x128xf32, #tpu.memory_space<hbm>>
        %dma_start3A_69 = tpu.memref_squeeze %dma_start3A_68 : memref<1x632x128xf32, #tpu.memory_space<hbm>> -> memref<632x128xf32, #tpu.memory_space<hbm>>
        %dma_start3A_70 = arith.constant 0 : i32
        %dma_start3A_71 = tpu.memref_slice %arg21[%multiple_of3A, %dma_start3A_70] : memref<10000x128xf32, #tpu.memory_space<vmem_shared>> -> memref<632x128xf32, #tpu.memory_space<vmem_shared>>
        tpu.enqueue_dma source(%dma_start3A_71 : memref<632x128xf32, #tpu.memory_space<vmem_shared>>) target(%dma_start3A_69 : memref<632x128xf32, #tpu.memory_space<hbm>>) target_semaphore(%run_scoped3A : memref<!tpu.dma_semaphore, #tpu.memory_space<semaphore_mem>>)
        %dma_wait3A = arith.constant 0 : i32
        %dma_wait3A_72 = tpu.memref_slice %arg10[%arg0, %multiple_of3A, %dma_wait3A] : memref<2x10000x128xf32, #tpu.memory_space<hbm>> -> memref<1x632x128xf32, #tpu.memory_space<hbm>>
        %dma_wait3A_73 = tpu.memref_squeeze %dma_wait3A_72 : memref<1x632x128xf32, #tpu.memory_space<hbm>> -> memref<632x128xf32, #tpu.memory_space<hbm>>
        %dma_wait3A_74 = arith.constant 0 : i32
        %dma_wait3A_75 = tpu.memref_slice %arg21[%multiple_of3A, %dma_wait3A_74] : memref<10000x128xf32, #tpu.memory_space<vmem_shared>> -> memref<632x128xf32, #tpu.memory_space<vmem_shared>>
        tpu.wait_dma2 semaphore(%run_scoped3A : memref<!tpu.dma_semaphore, #tpu.memory_space<semaphore_mem>>) src(%dma_wait3A_75 : memref<632x128xf32, #tpu.memory_space<vmem_shared>>) dst(%dma_wait3A_73 : memref<632x128xf32, #tpu.memory_space<hbm>>)
        tpu.yield
      }) : () -> ()
    } else {
    }
    %eq3A_61 = arith.constant 15 : i32
    %eq3A_62 = arith.cmpi eq, %arg1, %eq3A_61 : i32
    %convert_element_type3A_63 = arith.extui %eq3A_62 : i1 to i32
    %cond3A_64 = arith.constant 0 : i32
    %cond3A_65 = arith.cmpi ne, %convert_element_type3A_63, %cond3A_64 : i32
    scf.if %cond3A_65 {
      "tpu.region"() ({
        %run_scoped3A = tpu.sem_alloc : memref<!tpu.dma_semaphore, #tpu.memory_space<semaphore_mem>>
        %dma_start3A = arith.constant 9480 : i32
        %dma_start3A_66 = arith.constant 0 : i32
        %dma_start3A_67 = tpu.memref_slice %arg10[%arg0, %dma_start3A, %dma_start3A_66] : memref<2x10000x128xf32, #tpu.memory_space<hbm>> -> memref<1x520x128xf32, #tpu.memory_space<hbm>>
        %dma_start3A_68 = tpu.memref_squeeze %dma_start3A_67 : memref<1x520x128xf32, #tpu.memory_space<hbm>> -> memref<520x128xf32, #tpu.memory_space<hbm>>
        %dma_start3A_69 = arith.constant 9480 : i32
        %dma_start3A_70 = arith.constant 0 : i32
        %dma_start3A_71 = tpu.memref_slice %arg21[%dma_start3A_69, %dma_start3A_70] : memref<10000x128xf32, #tpu.memory_space<vmem_shared>> -> memref<520x128xf32, #tpu.memory_space<vmem_shared>>
        tpu.enqueue_dma source(%dma_start3A_71 : memref<520x128xf32, #tpu.memory_space<vmem_shared>>) target(%dma_start3A_68 : memref<520x128xf32, #tpu.memory_space<hbm>>) target_semaphore(%run_scoped3A : memref<!tpu.dma_semaphore, #tpu.memory_space<semaphore_mem>>)
        %dma_wait3A = arith.constant 9480 : i32
        %dma_wait3A_72 = arith.constant 0 : i32
        %dma_wait3A_73 = tpu.memref_slice %arg10[%arg0, %dma_wait3A, %dma_wait3A_72] : memref<2x10000x128xf32, #tpu.memory_space<hbm>> -> memref<1x520x128xf32, #tpu.memory_space<hbm>>
        %dma_wait3A_74 = tpu.memref_squeeze %dma_wait3A_73 : memref<1x520x128xf32, #tpu.memory_space<hbm>> -> memref<520x128xf32, #tpu.memory_space<hbm>>
        %dma_wait3A_75 = arith.constant 9480 : i32
        %dma_wait3A_76 = arith.constant 0 : i32
        %dma_wait3A_77 = tpu.memref_slice %arg21[%dma_wait3A_75, %dma_wait3A_76] : memref<10000x128xf32, #tpu.memory_space<vmem_shared>> -> memref<520x128xf32, #tpu.memory_space<vmem_shared>>
        tpu.wait_dma2 semaphore(%run_scoped3A : memref<!tpu.dma_semaphore, #tpu.memory_space<semaphore_mem>>) src(%dma_wait3A_77 : memref<520x128xf32, #tpu.memory_space<vmem_shared>>) dst(%dma_wait3A_74 : memref<520x128xf32, #tpu.memory_space<hbm>>)
        tpu.yield
      }) : () -> ()
    } else {
    }
    return
  }
}

module attributes {stable_mosaic.version = 14 : i64} {
  func.func @_pq_body(%arg0: memref<10000x128xf32, #tpu.memory_space<vmem>>, %arg1: memref<128x256xf32, #tpu.memory_space<vmem>>, %arg2: memref<1x256xf32, #tpu.memory_space<vmem>>, %arg3: memref<10000x128xf32, #tpu.memory_space<vmem>>, %arg4: memref<10000x128xf32, #tpu.memory_space<vmem>>) attributes {dimension_semantics = [], scalar_prefetch = 0 : i64, scratch_operands = 0 : i64, tpu.core_type = #tpu.core_type<tc>} {
    %get3A = arith.constant 0 : index
    %get3A_0 = arith.constant 0 : index
    %get3A_1 = vector.load %arg0[%get3A, %get3A_0] : memref<10000x128xf32, #tpu.memory_space<vmem>>, vector<10000x128xf32>
    %get3A_2 = arith.constant 0 : index
    %get3A_3 = arith.constant 0 : index
    %get3A_4 = vector.load %arg1[%get3A_2, %get3A_3] : memref<128x256xf32, #tpu.memory_space<vmem>>, vector<128x256xf32>
    %dot_general3A = arith.constant dense<0.000000e+00> : vector<10000x256xf32>
    %dot_general3A_5 = tpu.matmul %get3A_1, %get3A_4, %dot_general3A {dimension_numbers = #tpu.dot_dimension_numbers<[1], [0], [0], [1], [0, 0, 1, 1], [], []>, transpose_lhs_hint = false} : vector<10000x128xf32>, vector<128x256xf32>, vector<10000x256xf32> -> vector<10000x256xf32>
    %get3A_6 = arith.constant 0 : index
    %get3A_7 = arith.constant 0 : index
    %get3A_8 = vector.load %arg2[%get3A_6, %get3A_7] : memref<1x256xf32, #tpu.memory_space<vmem>>, vector<1x256xf32>
    %add3A = vector.broadcast %get3A_8 : vector<1x256xf32> to vector<10000x256xf32>
    %add3A_9 = arith.addf %dot_general3A_5, %add3A : vector<10000x256xf32>
    %slice3A = vector.extract_strided_slice %add3A_9 {offsets = [0, 0], sizes = [10000, 128], strides = [1, 1]} : vector<10000x256xf32> to vector<10000x128xf32>
    %swap3A = arith.constant 0 : index
    %swap3A_10 = arith.constant 0 : index
    %swap3A_11 = vector.load %arg3[%swap3A, %swap3A_10] : memref<10000x128xf32, #tpu.memory_space<vmem>>, vector<10000x128xf32>
    tpu.vector_store %arg3[%swap3A, %swap3A_10], %slice3A {strides = array<i32>} : memref<10000x128xf32, #tpu.memory_space<vmem>>, vector<10000x128xf32>,
    %slice3A_12 = vector.extract_strided_slice %add3A_9 {offsets = [0, 128], sizes = [10000, 128], strides = [1, 1]} : vector<10000x256xf32> to vector<10000x128xf32>
    %swap3A_13 = arith.constant 0 : index
    %swap3A_14 = arith.constant 0 : index
    %swap3A_15 = vector.load %arg4[%swap3A_13, %swap3A_14] : memref<10000x128xf32, #tpu.memory_space<vmem>>, vector<10000x128xf32>
    tpu.vector_store %arg4[%swap3A_13, %swap3A_14], %slice3A_12 {strides = array<i32>} : memref<10000x128xf32, #tpu.memory_space<vmem>>, vector<10000x128xf32>,
    return
  }
}

module attributes {stable_mosaic.version = 14 : i64} {
  func.func @_r_body(%arg0: i32, %arg1: memref<4000x16xf32, #tpu.memory_space<vmem>>, %arg2: memref<16x128xf32, #tpu.memory_space<vmem>>, %arg3: memref<4000x128xf32, #tpu.memory_space<vmem>>) attributes {dimension_semantics = [#tpu.dimension_semantics<arbitrary>], iteration_bounds = array<i64: 80>, scalar_prefetch = 0 : i64, scratch_operands = 0 : i64, tpu.core_type = #tpu.core_type<tc>, window_params = [{transform_indices = @transform_0, window_bounds = array<i64: 4000, 16>}, {pipeline_mode = #tpu.pipeline_mode<synchronous>, transform_indices = @transform_1, window_bounds = array<i64: 16, 128>}, {transform_indices = @transform_2, window_bounds = array<i64: 4000, 128>}]} {
    %get3A = arith.constant 0 : index
    %get3A_0 = arith.constant 0 : index
    %get3A_1 = vector.load %arg1[%get3A, %get3A_0] : memref<4000x16xf32, #tpu.memory_space<vmem>>, vector<4000x16xf32>
    %get3A_2 = arith.constant 0 : index
    %get3A_3 = arith.constant 0 : index
    %get3A_4 = vector.load %arg2[%get3A_2, %get3A_3] : memref<16x128xf32, #tpu.memory_space<vmem>>, vector<16x128xf32>
    %dot_general3A = arith.constant dense<0.000000e+00> : vector<4000x128xf32>
    %dot_general3A_5 = tpu.matmul %get3A_1, %get3A_4, %dot_general3A {dimension_numbers = #tpu.dot_dimension_numbers<[1], [0], [0], [1], [0, 0, 1, 1], [], []>, transpose_lhs_hint = false} : vector<4000x16xf32>, vector<16x128xf32>, vector<4000x128xf32> -> vector<4000x128xf32>
    %swap3A = arith.constant 0 : index
    %swap3A_6 = arith.constant 0 : index
    %swap3A_7 = vector.load %arg3[%swap3A, %swap3A_6] : memref<4000x128xf32, #tpu.memory_space<vmem>>, vector<4000x128xf32>
    tpu.vector_store %arg3[%swap3A, %swap3A_6], %dot_general3A_5 {strides = array<i32>} : memref<4000x128xf32, #tpu.memory_space<vmem>>, vector<4000x128xf32>,
    return
  }
  func.func @transform_0(%arg0: i32) -> (i32, i32) {
    %c0_i32 = arith.constant 0 : i32
    %c0_i32_0 = arith.constant 0 : i32
    return %arg0, %c0_i32 : i32, i32
  }
  func.func @transform_1(%arg0: i32) -> (i32, i32) {
    %c0_i32 = arith.constant 0 : i32
    %c0_i32_0 = arith.constant 0 : i32
    %c0_i32_1 = arith.constant 0 : i32
    return %c0_i32, %c0_i32_0 : i32, i32
  }
  func.func @transform_2(%arg0: i32) -> (i32, i32) {
    %c0_i32 = arith.constant 0 : i32
    %c0_i32_0 = arith.constant 0 : i32
    return %arg0, %c0_i32 : i32, i32
  }
}

module attributes {stable_mosaic.version = 14 : i64} {
  func.func @_fin_body(%arg0: memref<2x10000x128xf32, #tpu.memory_space<vmem>>, %arg1: memref<2x16x16xf32, #tpu.memory_space<vmem>>, %arg2: memref<10000x128xf32, #tpu.memory_space<vmem>>, %arg3: memref<128x128xf32, #tpu.memory_space<vmem>>, %arg4: memref<1x128xf32, #tpu.memory_space<vmem>>, %arg5: memref<1x128xf32, #tpu.memory_space<vmem>>, %arg6: memref<10000x128xf32, #tpu.memory_space<vmem>>) attributes {dimension_semantics = [], scalar_prefetch = 0 : i64, scratch_operands = 0 : i64, tpu.core_type = #tpu.core_type<tc>} {
    %get3A = arith.constant 0 : index
    %get3A_0 = arith.constant 0 : index
    %get3A_1 = arith.constant 0 : index
    %get3A_2 = vector.load %arg1[%get3A, %get3A_0, %get3A_1] : memref<2x16x16xf32, #tpu.memory_space<vmem>>, vector<2x16x1xf32>
    %get3A_3 = vector.shape_cast %get3A_2 : vector<2x16x1xf32> to vector<2x16xf32>
    %reduce_sum3A = vector.shape_cast %get3A_3 : vector<2x16xf32> to vector<1x2x16xf32>
    %reduce_sum3A_4 = arith.constant dense<0.000000e+00> : vector<1xf32>
    %reduce_sum3A_5 = vector.multi_reduction <add>, %reduce_sum3A, %reduce_sum3A_4 [1, 2] : vector<1x2x16xf32> to vector<1xf32>
    %reduce_sum3A_6 = vector.shape_cast %reduce_sum3A_5 : vector<1xf32> to vector<1x1x1xf32>
    %reduce_sum3A_7 = vector.extract %reduce_sum3A_6[0, 0, 0] : f32 from vector<1x1x1xf32>
    %get3A_8 = arith.constant 0 : index
    %get3A_9 = arith.constant 0 : index
    %get3A_10 = arith.constant 0 : index
    %get3A_11 = vector.load %arg0[%get3A_8, %get3A_9, %get3A_10] : memref<2x10000x128xf32, #tpu.memory_space<vmem>>, vector<1x10000x128xf32>
    %get3A_12 = vector.shape_cast %get3A_11 : vector<1x10000x128xf32> to vector<10000x128xf32>
    %get3A_13 = arith.constant 1 : index
    %get3A_14 = arith.constant 0 : index
    %get3A_15 = arith.constant 0 : index
    %get3A_16 = vector.load %arg0[%get3A_13, %get3A_14, %get3A_15] : memref<2x10000x128xf32, #tpu.memory_space<vmem>>, vector<1x10000x128xf32>
    %get3A_17 = vector.shape_cast %get3A_16 : vector<1x10000x128xf32> to vector<10000x128xf32>
    %add3A = arith.addf %get3A_12, %get3A_17 : vector<10000x128xf32>
    %get3A_18 = arith.constant 0 : index
    %get3A_19 = arith.constant 0 : index
    %get3A_20 = vector.load %arg3[%get3A_18, %get3A_19] : memref<128x128xf32, #tpu.memory_space<vmem>>, vector<128x128xf32>
    %dot_general3A = arith.constant dense<0.000000e+00> : vector<10000x128xf32>
    %dot_general3A_21 = tpu.matmul %add3A, %get3A_20, %dot_general3A {dimension_numbers = #tpu.dot_dimension_numbers<[1], [0], [0], [1], [0, 0, 1, 1], [], []>, transpose_lhs_hint = false} : vector<10000x128xf32>, vector<128x128xf32>, vector<10000x128xf32> -> vector<10000x128xf32>
    %get3A_22 = arith.constant 0 : index
    %get3A_23 = arith.constant 0 : index
    %get3A_24 = vector.load %arg2[%get3A_22, %get3A_23] : memref<10000x128xf32, #tpu.memory_space<vmem>>, vector<10000x128xf32>
    %div3A = arith.constant 1.000000e+00 : f32
    %div3A_25 = arith.divf %div3A, %reduce_sum3A_7 : f32
    %mul3A = vector.broadcast %div3A_25 : f32 to vector<10000x128xf32>
    %mul3A_26 = arith.mulf %dot_general3A_21, %mul3A : vector<10000x128xf32>
    %add3A_27 = arith.addf %get3A_24, %mul3A_26 : vector<10000x128xf32>
    %reduce_sum3A_28 = arith.constant dense<0.000000e+00> : vector<10000xf32>
    %reduce_sum3A_29 = vector.multi_reduction <add>, %add3A_27, %reduce_sum3A_28 [1] : vector<10000x128xf32> to vector<10000xf32>
    %broadcast_in_dim3A = vector.shape_cast %reduce_sum3A_29 : vector<10000xf32> to vector<10000x1xf32>
    %div3A_30 = arith.constant 1.280000e+02 : f32
    %div3A_31 = vector.broadcast %div3A_30 : f32 to vector<10000x1xf32>
    %div3A_32 = arith.divf %broadcast_in_dim3A, %div3A_31 : vector<10000x1xf32>
    %sub3A = vector.broadcast %div3A_32 : vector<10000x1xf32> to vector<10000x128xf32>
    %sub3A_33 = arith.subf %add3A_27, %sub3A : vector<10000x128xf32>
    %mul3A_34 = arith.mulf %sub3A_33, %sub3A_33 : vector<10000x128xf32>
    %reduce_sum3A_35 = arith.constant dense<0.000000e+00> : vector<10000xf32>
    %reduce_sum3A_36 = vector.multi_reduction <add>, %mul3A_34, %reduce_sum3A_35 [1] : vector<10000x128xf32> to vector<10000xf32>
    %broadcast_in_dim3A_37 = vector.shape_cast %reduce_sum3A_36 : vector<10000xf32> to vector<10000x1xf32>
    %div3A_38 = arith.constant 1.280000e+02 : f32
    %div3A_39 = vector.broadcast %div3A_38 : f32 to vector<10000x1xf32>
    %div3A_40 = arith.divf %broadcast_in_dim3A_37, %div3A_39 : vector<10000x1xf32>
    %add3A_41 = arith.constant 9.99999974E-6 : f32
    %add3A_42 = vector.broadcast %add3A_41 : f32 to vector<10000x1xf32>
    %add3A_43 = arith.addf %div3A_40, %add3A_42 : vector<10000x1xf32>
    %rsqrt3A = math.rsqrt %add3A_43 : vector<10000x1xf32>
    %mul3A_44 = vector.broadcast %rsqrt3A : vector<10000x1xf32> to vector<10000x128xf32>
    %mul3A_45 = arith.mulf %sub3A_33, %mul3A_44 : vector<10000x128xf32>
    %get3A_46 = arith.constant 0 : index
    %get3A_47 = arith.constant 0 : index
    %get3A_48 = vector.load %arg4[%get3A_46, %get3A_47] : memref<1x128xf32, #tpu.memory_space<vmem>>, vector<1x128xf32>
    %mul3A_49 = vector.broadcast %get3A_48 : vector<1x128xf32> to vector<10000x128xf32>
    %mul3A_50 = arith.mulf %mul3A_45, %mul3A_49 : vector<10000x128xf32>
    %get3A_51 = arith.constant 0 : index
    %get3A_52 = arith.constant 0 : index
    %get3A_53 = vector.load %arg5[%get3A_51, %get3A_52] : memref<1x128xf32, #tpu.memory_space<vmem>>, vector<1x128xf32>
    %add3A_54 = vector.broadcast %get3A_53 : vector<1x128xf32> to vector<10000x128xf32>
    %add3A_55 = arith.addf %mul3A_50, %add3A_54 : vector<10000x128xf32>
    %swap3A = arith.constant 0 : index
    %swap3A_56 = arith.constant 0 : index
    %swap3A_57 = vector.load %arg6[%swap3A, %swap3A_56] : memref<10000x128xf32, #tpu.memory_space<vmem>>, vector<10000x128xf32>
    tpu.vector_store %arg6[%swap3A, %swap3A_56], %add3A_55 {strides = array<i32>} : memref<10000x128xf32, #tpu.memory_space<vmem>>, vector<10000x128xf32>,
    return
  }
}

</mosaic_0001>

<sc_bundles>
// kernel: kernel.6.cloned.1.call-start
scs
__scs_entry_jumppad:
0x0: {  	(pc) =	sbr.rel $0x88, $3  }
0x1: {  	(tag) =	ssettag $0x0;
	lr =	simm.s32 $0x1  }
0x2: {  	[smem:$0x3F96] =	sst lr;
	_ =	strace $0xD0000000  }
0x3: {  	_ = 	snop  }
0x4: {  	_ = 	snop  }
0x5: {  	_ = 	snop  }
0x6: {  	_ = 	snop  }
0x7: {  	_ = 	snop  }
__scs_overlays_trampoline_lowered:
0x8: {  	[smem:$0x3FA5] =	sst s0  }
0x9: {  	[smem:$0x3FA6] =	sst s1  }
0xa: {  	[smem:$0x3FA7] =	sst s2  }
0xb: {  	[smem:$0x3FA8] =	sst s3  }
0xc: {  	[smem:$0x3FA9] =	sst s4  }
0xd: {  	[smem:$0x3FAA] =	sst s5  }
0xe: {  	[smem:$0x3FAB] =	sst s6  }
0xf: {  	[smem:$0x3FAC] =	sst s7  }
0x10: {  	[smem:$0x3FAD] =	sst s8  }
0x11: {  	[smem:$0x3FAE] =	sst s9;
	s0 =	simm.s32 @!p0 $0x0  }
0x12: {  	s1 =	sld [smem:$0x3F94];
	s0 =	simm.s32 @p0 $0x1  }
0x13: {  	[smem:$0x3FAF] =	sst s0;
	s0 =	simm.s32 @!p1 $0x0  }
0x14: {  	s2 =	sld [smem:$0x3F93];
	s0 =	simm.s32 @p1 $0x1  }
0x15: {  	[smem:$0x3FB0] =	sst s0;
	s0 =	simm.s32 @!p2 $0x0  }
0x16: {  	s3 =	sld [smem:$0x3FDB];
	s0 =	simm.s32 @p2 $0x1  }
0x17: {  	s4 =	simm.s32 $0x1BF5;
	[smem:$0x3FB2] =	sst s0  }
0x18: {  	s0 =	sld [smem:$0x3F95];
	_ =	swait.ge [sflag:s4], $0x0  }
0x19: {  	s7 =	sld [smem:$0x3F96]  }
0x1a: {  	s8 =	sadd.s32 $0xFFFFE003, lr  }
0x1b: {  	s9 =	sadd.s32 $0xFFFFFEF7, lr;
	s5 =	simm.s32 $0xFFFFFFFF;
	p2 =	slt.u32 s8, $0xFFFFF086  }
0x1c: {  	p1 =	slt.u32 s9, $0xF7A;
	s5 =	simm.s32 @!p2 $0x0  }
0x1d: {  	s5 =	simm.s32 @p1 $0x1;
	p0 =	seq.s32 s7, s2  }
0x1e: {  	s7 =	smul.u32 @!p0 $0xF7A, s2;
	p2 =	seq.s32 @!p0 s5, $0x0  }
0x1f: {  	s9 =	smul.u32 $0xF7A, s1;
	s8 =	simm.s32 @!p0 $0x1BF5;
	p2 =	por !p2, p0  }
0x20: {  	[sflag:s8] =	ssyncset.s32 @!p0 $0xFFFFF086;
	s6 =	sadd.s32 @!p0 s3, s7;
	s7 =	simm.s32 @!p0 $0x108  }
0x21: {  	s3 =	sadd.s32 s3, s9;
	s6 =	sadd.s32 @!p0 $0x88, s6;
	s7 =	simm.s32 @p2 $0x1082  }
0x22: {  	[simem:s7], [sflag:s8] =	dma.local @!p0 [hbm:s6], $0xF7A  }
0x23: {  	s9 =	sor.u32 $0xD0000000, s2;
	s6 =	simm.s32 $0x108;
	_ =	swait.ge @!p0 [sflag:s8], $0x0  }
0x24: {  	s3 =	sadd.s32 $0x88, s3;
	s6 =	simm.s32 @!p1 $0x1082;
	[sflag:s4] =	ssyncset.s32 $0xFFFFF086  }
0x25: {  	[simem:s6], [sflag:s4] =	dma.local [hbm:s3], $0xF7A  }
0x26: {  	[smem:$0x3F96] =	sst s1;
	(tag) =	ssettag s2;
	_ =	strace s9  }
0x27: {  	s1 =	sld [smem:$0x3FA6]  }
0x28: {  	s2 =	sld [smem:$0x3FA7]  }
0x29: {  	s4 =	sld [smem:$0x3FA9]  }
0x2a: {  	p0 =	seq.s32 s5, $0x0;
	s5 =	sld [smem:$0x3FAA]  }
0x2b: {  	s6 =	sld [smem:$0x3FAB]  }
0x2c: {  	s7 =	sld [smem:$0x3FAC]  }
0x2d: {  	s3 =	simm.s32 $0x108;
	s8 =	sld [smem:$0x3FAD]  }
0x2e: {  	s3 =	simm.s32 @!p0 $0x1082;
	s9 =	sld [smem:$0x3FAE]  }
0x2f: {  	lr =	sadd.s32 s0, s3;
	s0 =	sld [smem:$0x3FA5]  }
0x30: {  	s3 =	sld [smem:$0x3FA8]  }
0x31: {  	[smem:$0x3FB1] =	sst s10  }
0x32: {  	s10 =	sld [smem:$0x3FAF];
	_ =	sdelay $0x3  }
0x33: {  	p0 =	seq.s32 s10, $0x1;
	s10 =	sld [smem:$0x3FB1];
	_ =	sdelay $0x3  }
0x34: {  	[smem:$0x3FB1] =	sst s10  }
0x35: {  	s10 =	sld [smem:$0x3FB0];
	_ =	sdelay $0x3  }
0x36: {  	p1 =	seq.s32 s10, $0x1;
	s10 =	sld [smem:$0x3FB1];
	_ =	sdelay $0x3  }
0x37: {  	[smem:$0x3FB1] =	sst s10  }
0x38: {  	s10 =	sld [smem:$0x3FB2]  }
0x39: {  	_ = 	snop;
	(pc) =	sbr.ind lr, $3  }
0x3a: {  	_ = 	snop  }
0x3b: {  	_ = 	snop  }
0x3c: {  	p2 =	seq.s32 s10, $0x1;
	s10 =	sld [smem:$0x3FB1]  }
0x3d: {  	_ =	shalt  }
0x3e: {  	_ =	shalt  }
0x3f: {  	_ =	shalt  }
0x40: {  	_ =	shalt  }
0x41: {  	_ =	shalt  }
0x42: {  	_ =	shalt  }
0x43: {  	_ =	shalt  }
0x44: {  	_ =	shalt  }
0x45: {  	_ =	shalt  }
0x46: {  	_ =	shalt  }
0x47: {  	_ =	shalt  }
0x48: {  	_ =	shalt  }
0x49: {  	_ =	shalt  }
0x4a: {  	_ =	shalt  }
0x4b: {  	_ =	shalt  }
0x4c: {  	_ =	shalt  }
0x4d: {  	_ =	shalt  }
0x4e: {  	_ =	shalt  }
0x4f: {  	_ =	shalt  }
0x50: {  	_ =	shalt  }
0x51: {  	_ =	shalt  }
0x52: {  	_ =	shalt  }
0x53: {  	_ =	shalt  }
0x54: {  	_ =	shalt  }
0x55: {  	_ =	shalt  }
0x56: {  	_ =	shalt  }
0x57: {  	_ =	shalt  }
0x58: {  	_ =	shalt  }
0x59: {  	_ =	shalt  }
0x5a: {  	_ =	shalt  }
0x5b: {  	_ =	shalt  }
0x5c: {  	_ =	shalt  }
0x5d: {  	_ =	shalt  }
0x5e: {  	_ =	shalt  }
0x5f: {  	_ =	shalt  }
0x60: {  	_ =	shalt  }
0x61: {  	_ =	shalt  }
0x62: {  	_ =	shalt  }
0x63: {  	_ =	shalt  }
0x64: {  	_ =	shalt  }
0x65: {  	_ =	shalt  }
0x66: {  	_ =	shalt  }
0x67: {  	_ =	shalt  }
0x68: {  	_ =	shalt  }
0x69: {  	_ =	shalt  }
0x6a: {  	_ =	shalt  }
0x6b: {  	_ =	shalt  }
0x6c: {  	_ =	shalt  }
0x6d: {  	_ =	shalt  }
0x6e: {  	_ =	shalt  }
0x6f: {  	_ =	shalt  }
0x70: {  	_ =	shalt  }
0x71: {  	_ =	shalt  }
0x72: {  	_ =	shalt  }
0x73: {  	_ =	shalt  }
0x74: {  	_ =	shalt  }
0x75: {  	_ =	shalt  }
0x76: {  	_ =	shalt  }
0x77: {  	_ =	shalt  }
0x78: {  	_ =	shalt  }
0x79: {  	_ =	shalt  }
0x7a: {  	_ =	shalt  }
0x7b: {  	_ =	shalt  }
0x7c: {  	_ =	shalt  }
0x7d: {  	_ =	shalt  }
0x7e: {  	_ =	shalt  }
0x7f: {  	_ =	shalt  }
0x80: {  	_ =	shalt  }
0x81: {  	_ =	shalt  }
0x82: {  	_ =	shalt  }
0x83: {  	_ =	shalt  }
0x84: {  	_ =	shalt  }
0x85: {  	_ =	shalt  }
0x86: {  	_ =	shalt  }
0x87: {  	_ =	shalt  }
.Lfunc_end0:
.L_simem_size_0:
called_computation_lowered:
.L_overlay_start_0:
0x88: {  	s2 =	sld [smem:$0x3FD9]  }
0x89: {  	s3 =	sld [smem:$0x3FFE];
	_ =	sdelay $0x1  }
0x8a: {  	s1 =	srdreg.scid  }
0x8b: {  	s0 =	sand.u32 $0x1, s1  }
0x8c: {  	s17 =	sshll.u32 s0, $0xA;
	s2 =	sadd.s32 s3, s2  }
0x8d: {  	s2 =	sadd.s32 s2, s17  }
0x8e: {  	[smem:$0x3FBD] =	sst s2  }
0x8f: {  	_ = 	snop  }
0x90: {  	s2 =	sld [smem:$0x3FD0];
	(tm) =	ssettm $0x1  }
0x91: {  	s18 =	sld [smem:$0x3FFB];
	_ =	sdelay $0x3  }
0x92: {  	_ =	strace s18  }
0x93: {  	s3 =	sld [smem:$0x3FFC];
	_ =	sdelay $0x3  }
0x94: {  	_ =	strace s3  }
0x95: {  	s3 =	sld [smem:$0x3FFD];
	_ =	sdelay $0x3  }
0x96: {  	_ =	strace s3  }
0x97: {  	_ =	strace $0x8FFFFFFF  }
0x98: {  	s19 =	sld [smem:$0x3FDB];
	_ =	sdelay $0x1  }
0x99: {  	s4 =	simm.s32 $_scs_section_size  }
0x9a: {  	s5 =	simm.s32 $_size__tile_overlayer_lowered;
	s6 =	simm.s32 $_tile_overlayer_lowered  }
0x9b: {  	s22 =	simm.s32 $0x1BFF;
	s21 =	sshll.u32 s6, $0x1;
	s3 =	sadd.s32 s4, s19  }
0x9c: {  	s7 =	simm.s32 $0x0;
	s20 =	sshll.u32 s5, $0x1;
	s5 =	sadd.s32 s21, s3  }
0x9d: {  	[timem:s7], [sflag:s22] =	dma.local [hbm:s5], s20  }
0x9e: {  	_ =	swait.ge [sflag:s22], s20  }
0x9f: {  	s4 =	ssub.s32 $0x0, s20;
	[sflag:s22] =	ssyncset.done $0x0  }
0xa0: {  	[sflag:s22] =	ssyncadd.s32 s4;
	_ =	sdelay $0x1  }
0xa1: {  	s23 =	simm.s32 $0x1B8B  }
0xa2: {  	_ =	swait.ge [sflag:s23], $0x1  }
0xa3: {  	[sflag:s23] =	ssyncset.done $0x0  }
0xa4: {  	s25 =	simm.s32 $0x1B8E;
	s24 =	sld [smem:$0x3FFE];
	[sflag:s23] =	ssyncadd.s32 $0xFFFFFFFF  }
0xa5: {  	s26 =	simm.s32 $execute0_lowered;
	[smem:$0x3FD2] =	sst s25  }
0xa6: {  	s5 =	sshll.u32 s26, $0x1;
	_ =	strace $0x80000046;
	[dreg:$0x1] =	wrdreg $0xFFFFFFFF  }
0xa7: {  	s28 =	simm.s32 $_size_execute0_lowered;
	s3 =	sadd.s32 s3, s5;
	[dreg:$0x0] =	wrdreg $0x0  }
0xa8: {  	s5 =	sshll.u32 s28, $0x1;
	[dreg:$0x2] =	wrdreg s3  }
0xa9: {  	[dreg:$0x3] =	wrdreg s5  }
0xaa: {  	[dreg:$0x4] =	wrdreg $0xC0  }
0xab: {  	_ =	task [dreg:s7], $0x5FFFF  }
0xac: {  	[dreg:$0x1] =	wrdreg $0xFFFFFFFF  }
0xad: {  	[dreg:$0x0] =	wrdreg $0x60  }
0xae: {  	[dreg:$0x2] =	wrdreg s2  }
0xaf: {  	[dreg:$0x3] =	wrdreg s24  }
0xb0: {  	[dreg:$0x4] =	wrdreg $0xA2800  }
0xb1: {  	[dreg:$0x5] =	wrdreg $0x9  }
0xb2: {  	_ =	task.clear_ibuf [dreg:s7], $0x6FFFF;
	_ =	strace $0x90000046  }
0xb3: {  	s29 =	simm.s32 $0x9;
	_ =	strace $0x80000048  }
0xb4: {  	_ =	swait.ge [sflag:s29], $0x1  }
0xb5: {  	[sflag:s29] =	ssyncadd.s32 $0xFFFFFFFF  }
0xb6: {  	_ =	strace $0x90000048  }
0xb7: {  	_ =	sfence  }
0xb8: {  	s30 =	sld [smem:$0x0];
	_ =	sdelay $0x2  }
0xb9: {  	s31 =	sshll.u32 s1, $0xD;
	s1 =	sshrl.u32 s1, $0x2  }
0xba: {  	s3 =	sand.u32 $0x4000, s31;
	s1 =	sadd.s32 s1, s30  }
0xbb: {  	s0 =	sor.u32 s3, s0;
	s1 =	sshll.u32 s1, $0x11  }
0xbc: {  	s0 =	sor.u32 s1, s0  }
0xbd: {  	s0 =	sadd.s32 $0x8F2B, s0  }
0xbe: {  	[sflag:s0] =	ssyncadd.remote.s32 $0x1  }
0xbf: {  	_ =	sfence.sel $0xFFFF  }
0xc0: {  	[dreg:$0x0] =	wrdreg $0xFFFFFFFF;
	(pc) =	sbr.abs _section_cstart, $3  }
0xc1: {  	[dreg:$0x1] =	wrdreg $0xFFFFFFFF  }
0xc2: {  	_ =	task.clear_ibuf [dreg:s7], $0x2FFFF;
	_ =	strace $0x9FFFFFFF  }
0xc3: {  	(tm) =	ssettm $0x7FFFFFFF  }
tec
execute0_lowered:
.L_overlay_start_1:
0x0: {  	(tag) =	ssettag $0x1  }
0x1: {  	s1 =	rddreg [dreg:$0x0]  }
0x2: {  	s0 =	rddreg [dreg:$0x1]  }
0x3: {  	s2 =	rddreg [dreg:$0x2];
	s4 =	simm.s32 $0x0  }
0x4: {  	s19 =	stileid.u32;
	s22 =	srdreg.scid;
	s29 =	simm.s32 $0x2900  }
0x5: {  	s30 =	simm.s32 $0x5100;
	s31 =	simm.s32 $0x7900;
	[smem:$0x7FF] =	sst s4  }
0x6: {  	s5 =	sadd.s32 $0x2200, s0;
	s6 =	sadd.s32 $0x4F8A00, s0;
	s7 =	sadd.s32 $0x4EE000, s0  }
0x7: {  	s28 =	simm.s32 $0x100;
	s8 =	sadd.s32 $0x4E4200, s0;
	s9 =	sadd.s32 $0x4F7E00, s0  }
0x8: {  	s3 =	smul.u32 $0x2780, s19;
	s21 =	sadd.s32 $0x4F8800, s0;
	s10 =	sadd.s32 $0x50600, s0  }
0x9: {  	s11 =	sshll.u32 s19, $0x4;
	s13 =	sshll.u32 s19, $0x1;
	s14 =	smul.u32 $0x4F000, s19  }
0xa: {  	s18 =	sadd.s32 $0x128400, s2;
	_ =	strace $0x80000047;
	[dreg:$0x4] =	wrdreg s9  }
0xb: {  	s25 =	smul.u32 $0x13C00, s19;
	p0 =	seq.s32 s19, $0xF;
	[dreg:$0x5] =	wrdreg s21  }
0xc: {  	v0 =	vimm.s32 $0xFEDCBA98;
	v1 =	vimm.s32 $0x76543210;
	s9 =	sand.u32 $0x1, s22;
	s15 =	sadd.s32 s11, s0;
	s18 =	sshrl.u32 @p0 s18, $0x3  }
0xd: {  	v2 =	vimm.s32 $0xBA98FEDC;
	v3 =	vimm.s32 $0x32107654;
	v4 =	vimm.s32 $0xDCFE98BA;
	s22 =	simm.s32 $0x2;
	s3 =	sadd.s32 s3, s0;
	s12 =	ssub.s32 $0x2, s9  }
0xe: {  	v5 =	vimm.s32 $0x54761032;
	v6 =	vimm.s32 $0xEFCDAB89;
	s13 =	sor.u32 s9, s13;
	s24 =	sshll.u32 s9, $0x8;
	s9 =	smul.u32 $0x138800, s9  }
0xf: {  	v7 =	vimm.s32 $0x67452301;
	v0 =	vunpack.c.l.s4.s8 v0;
	v1 =	vunpack.c.l.s4.s8 v1;
	s16 =	sshrl.u32 s14, $0x2;
	s23 =	sshrl.u32 s12, $0x1;
	s11 =	smul.u32 $0x2710, s13  }
0x10: {  	v2 =	vunpack.c.l.s4.s8 v2;
	v3 =	vunpack.c.l.s4.s8 v3;
	v4 =	vunpack.c.l.s4.s8 v4;
	s3 =	sadd.s32 $0x29400, s3;
	s13 =	sadd.s32 $0x4E480, s0;
	s12 =	ssub.s32 s12, s23  }
0x11: {  	v5 =	vunpack.c.l.s4.s8 v5;
	v6 =	vunpack.c.l.s4.s8 v6;
	v7 =	vunpack.c.l.s4.s8 v7;
	[dreg:$0x6] =	wrdreg s3;
	s3 =	sadd.s32 s24, s15;
	s26 =	sshrl.u32 s9, $0x3  }
0x12: {  	v0 =	vunpack.c.0.s8.s32 v0;
	v1 =	vunpack.c.0.s8.s32 v1;
	v2 =	vunpack.c.0.s8.s32 v2;
	s9 =	sadd.s32 s25, s9;
	s24 =	simm.s32 $0x80;
	s25 =	simm.s32 $0x1  }
0x13: {  	v3 =	vunpack.c.0.s8.s32 v3;
	v4 =	vunpack.c.0.s8.s32 v4;
	v5 =	vunpack.c.0.s8.s32 v5;
	s14 =	sadd.s32 $0x9E800, s3;
	s3 =	sadd.s32 s16, s2;
	s0 =	sadd.s32 s10, s26  }
0x14: {  	v6 =	vunpack.c.0.s8.s32 v6;
	v7 =	vunpack.c.0.s8.s32 v7;
	v0 =	vand.u32 $0xF, v0;
	s9 =	sshrl.u32 s9, $0x3;
	s17 =	smax.u32 s12, $0x1;
	s26 =	simm.s32 $0x50  }
0x15: {  	v0 =	vcombine.low v0, v1;
	v1 =	vcombine.low v3, v2;
	s15 =	sadd.s32 $0x25080, s0;
	s16 =	sadd.s32 s10, s9;
	s0 =	sshll.u32 @!p0 s19, $0x6  }
0x16: {  	v2 =	vcombine.low v5, v4;
	v3 =	vcombine.low v7, v6;
	s20 =	sshrl.u32 @!p0 s3, $0x3;
	s3 =	simm.s32 $0x0;
	s19 =	sor.u32 @!p0 $0x1C02, s0  }
.LBB2_1:
0x17: {  	s0 =	simm.s32 @p0 $0x1FC2  }
0x18: {  	[spmem:s18], [sflag:s0] =	dma.local @p0 [hbm:s13], $0x2080  }
0x19: {  	s0 =	simm.s32 @p0 $0x2  }
0x1a: {  	_ =	swait.ge @p0 [sflag:s0], $0x2080  }
0x1b: {  	[sflag:s0] =	ssyncset.done @p0 $0x0  }
0x1c: {  	[sflag:s0] =	ssyncadd.s32 @p0 $0xFFFFDF80;
	s0 =	rddreg [dreg:$0x6]  }
0x1d: {  	[spmem:s20], [sflag:s19] =	dma.local @!p0 [hbm:s0], $0x2780  }
0x1e: {  	s0 =	simm.s32 @!p0 $0x2  }
0x1f: {  	_ =	swait.ge @!p0 [sflag:s0], $0x2780  }
0x20: {  	[sflag:s0] =	ssyncset.done @!p0 $0x0  }
0x21: {  	s9 =	simm.s32 $0xA180;
	s12 =	rddreg [dreg:$0x4];
	[sflag:s0] =	ssyncadd.s32 @!p0 $0xFFFFD880  }
0x22: {  	[tilespmem:s9], [sflag:$0x2] =	stream.linear.gather [hbm4b:s12+s4], $0x80, $0x38;
	[tilespmem:$0x1DB00] =	vst v63  }
0x23: {  	_ =	swait.ge [sflag:s22], $0x80  }
0x24: {  	[sflag:s22] =	ssyncset.done $0x0  }
0x25: {  	s23 =	simm.s32 $0xA200;
	s21 =	rddreg [dreg:$0x5];
	[sflag:s22] =	ssyncadd.s32 $0xFFFFFF80  }
0x26: {  	[tilespmem:s23], [sflag:$0x2] =	stream.linear.gather [hbm4b:s21+s4], $0x80, $0x38;
	[tilespmem:$0x1DB00] =	vst v63  }
0x27: {  	_ =	swait.ge [sflag:s22], $0x80  }
0x28: {  	[sflag:s22] =	ssyncset.done $0x0  }
0x29: {  	[sflag:s22] =	ssyncadd.s32 $0xFFFFFF80  }
0x2a: {  	[bflag:$0x0] =	sbarrier.arrive $0xFFFF  }
0x2b: {  	v4 =	vld [tilespmem:$0xA180]  }
0x2c: {  	v5 =	vld [tilespmem:$0xA190]  }
0x2d: {  	v6 =	vld [tilespmem:$0xA1A0]  }
0x2e: {  	v7 =	vld [tilespmem:$0xA1B0]  }
0x2f: {  	v11 =	vld [tilespmem:$0xA1F0]  }
0x30: {  	v8 =	vld [tilespmem:$0xA1C0]  }
0x31: {  	v9 =	vld [tilespmem:$0xA1D0]  }
0x32: {  	v10 =	vld [tilespmem:$0xA1E0]  }
0x33: {  	v13 =	vimm.f32 $0.0e+00;
	s21 =	simm.s32 $0x0;
	v12 =	vld [tilespmem:$0xA200]  }
.LBB2_2:
0x34: {  	s0 =	smul.u32 $0x50, s21;
	_ =	sdelay $0x1  }
0x35: {  	s0 =	sadd.s32 s11, s0  }
0x36: {  	s9 =	sshrl.u32 s0, $0x3  }
0x37: {  	s12 =	simm.s32 $0x0;
	s10 =	sadd.s32 s7, s9  }
0x38: {  	[tilespmem:s12], [sflag:$0x1] =	stream.linear.gather [hbm4b:s10+s12], $0x50, $0x38;
	[tilespmem:$0x1DB00] =	vst v63  }
0x39: {  	s9 =	sadd.s32 s8, s9  }
0x3a: {  	[tilespmem:s24], [sflag:$0x1] =	stream.linear.gather [hbm4b:s9+s12], $0x50, $0x38;
	[tilespmem:$0x1DB00] =	vst v63  }
0x3b: {  	_ =	swait.ge [sflag:s25], $0x50  }
0x3c: {  	[sflag:s25] =	ssyncset.done $0x0  }
0x3d: {  	[sflag:s25] =	ssyncadd.s32 $0xFFFFFFB0  }
0x3e: {  	_ =	swait.ge [sflag:s25], $0x50  }
0x3f: {  	[sflag:s25] =	ssyncset.done $0x0  }
0x40: {  	[sflag:s25] =	ssyncadd.s32 $0xFFFFFFB0  }
0x41: {  	[tilespmem:s28], [sflag:$0x1] =	stream.indirect.gather [hbm4b:s1+s26], $0x80, s12, s26, $0xb8;
	[tilespmem:$0x1DB00] =	vst v63  }
0x42: {  	s0 =	sshll.u32 s0, $0x4  }
0x43: {  	[tilespmem:s29], [sflag:$0x1] =	stream.indirect.gather [hbm4b:s5+s26], $0x80, s24, s26, $0xb8;
	[tilespmem:$0x1DB00] =	vst v63  }
0x44: {  	s0 =	sadd.s32 s6, s0  }
0x45: {  	[tilespmem:s30], [sflag:$0x1] =	stream.linear.gather [hbm4b:s0+s12], $0x2800, $0x38;
	[tilespmem:$0x1DB00] =	vst v63  }
0x46: {  	_ =	swait.ge [sflag:s25], $0x2800  }
0x47: {  	[sflag:s25] =	ssyncset.done $0x0  }
0x48: {  	[sflag:s25] =	ssyncadd.s32 $0xFFFFD800  }
0x49: {  	_ =	swait.ge [sflag:s25], $0x2800  }
0x4a: {  	[sflag:s25] =	ssyncset.done $0x0  }
0x4b: {  	[sflag:s25] =	ssyncadd.s32 $0xFFFFD800  }
0x4c: {  	_ =	swait.ge [sflag:s25], $0x2800  }
0x4d: {  	[sflag:s25] =	ssyncset.done $0x0  }
0x4e: {  	s9 =	simm.s32 $0x0;
	[sflag:s25] =	ssyncadd.s32 $0xFFFFD800  }
0x4f: {  	v14 =	vld [tilespmem:s9+$0x5160]  }
0x50: {  	v15 =	vld [tilespmem:s9+$0x5150]  }
0x51: {  	v16 =	vld [tilespmem:s9+$0x140]  }
0x52: {  	v17 =	vld [tilespmem:s9+$0x2940]  }
0x53: {  	v18 =	vld [tilespmem:s9+$0x5120]  }
0x54: {  	v19 =	vld [tilespmem:s9+$0x5110]  }
0x55: {  	v20 =	vld [tilespmem:s9+$0x5100]  }
0x56: {  	v21 =	vld [tilespmem:s9+$0x100]  }
0x57: {  	v22 =	vld [tilespmem:s9+$0x2900]  }
0x58: {  	v23 =	vld [tilespmem:s9+$0x110]  }
0x59: {  	v24 =	vld [tilespmem:s9+$0x2910]  }
0x5a: {  	v25 =	vld [tilespmem:s9+$0x120]  }
0x5b: {  	v26 =	vld [tilespmem:s9+$0x2920]  }
0x5c: {  	v27 =	vld [tilespmem:s9+$0x130];
	v21 =	vadd.f32 v22, v21  }
0x5d: {  	v22 =	vld [tilespmem:s9+$0x2930]  }
0x5e: {  	v28 =	vld [tilespmem:s9+$0x5140];
	v20 =	vadd.f32 v20, v21;
	v21 =	vadd.f32 v24, v23  }
0x5f: {  	v23 =	vld [tilespmem:s9+$0x5130]  }
0x60: {  	v24 =	vld [tilespmem:s9+$0x150];
	v35 =	vmax.f32 v20, $0.0e+00;
	v19 =	vadd.f32 v19, v21;
	v20 =	vadd.f32 v26, v25  }
0x61: {  	v21 =	vld [tilespmem:s9+$0x2950];
	v25 =	vmul.f32 v35, v4  }
0x62: {  	v26 =	vld [tilespmem:s9+$0x160];
	v37 =	vmax.f32 v19, $0.0e+00;
	v18 =	vadd.f32 v18, v20;
	v19 =	vadd.f32 v22, v27  }
0x63: {  	v20 =	vld [tilespmem:s9+$0x2960];
	v22 =	vadd.f32 $0.0e+00, v25;
	v25 =	vmul.f32 v37, v5  }
0x64: {  	v16 =	vadd.f32 v17, v16;
	v27 =	vld [tilespmem:s9+$0x170];
	v38 =	vmax.f32 v18, $0.0e+00;
	v17 =	vadd.f32 v23, v19  }
0x65: {  	v18 =	vld [tilespmem:s9+$0x2970];
	v19 =	vadd.f32 v25, v22;
	v23 =	vmul.f32 v38, v6  }
0x66: {  	s23 =	simm.s32 $0x80;
	v29 =	vld [tilespmem:s9+$0x5170];
	v16 =	vadd.f32 v28, v16;
	v22 =	vmax.f32 v17, $0.0e+00;
	v17 =	vadd.f32 v21, v24  }
0x67: {  	v30 =	vld [tilespmem:s23+$0x110];
	v19 =	vadd.f32 v23, v19;
	v23 =	vmul.f32 v22, v7  }
0x68: {  	v31 =	vld [tilespmem:s23+$0x2910];
	v24 =	vmax.f32 v16, $0.0e+00;
	v16 =	vadd.f32 v20, v26;
	v15 =	vadd.f32 v15, v17  }
0x69: {  	v32 =	vld [tilespmem:s23+$0x2920];
	v20 =	vmul.f32 v24, v8;
	v19 =	vadd.f32 v23, v19  }
0x6a: {  	v34 =	vld [tilespmem:s23+$0x130];
	v14 =	vadd.f32 v14, v16;
	v25 =	vmax.f32 v15, $0.0e+00;
	v15 =	vadd.f32 v18, v27  }
0x6b: {  	v36 =	vld [tilespmem:s23+$0x2930];
	v18 =	vadd.f32 v20, v19;
	v19 =	vmul.f32 v25, v9  }
0x6c: {  	v54 =	vld [tilespmem:s23+$0x150];
	v26 =	vmax.f32 v14, $0.0e+00;
	v14 =	vadd.f32 v29, v15  }
0x6d: {  	v39 =	vld [tilespmem:s23+$0x160];
	v18 =	vadd.f32 v19, v18;
	v19 =	vmul.f32 v26, v10  }
0x6e: {  	v27 =	vld [tilespmem:s23+$0x100];
	v29 =	vmax.f32 v14, $0.0e+00  }
0x6f: {  	v14 =	vld [tilespmem:s23+$0x2900];
	v18 =	vadd.f32 v19, v18;
	v19 =	vmul.f32 v29, v11  }
0x70: {  	v56 =	vld [tilespmem:s23+$0x2960]  }
0x71: {  	v15 =	vld [tilespmem:s23+$0x5100];
	v18 =	vadd.f32 v19, v18  }
0x72: {  	v20 =	vld [tilespmem:s23+$0x5110]  }
0x73: {  	v19 =	vld [tilespmem:s23+$0x120];
	v33 =	vperm.xlane v18, v0  }
0x74: {  	v17 =	vld [tilespmem:s23+$0x140];
	v14 =	vadd.f32 v14, v27  }
0x75: {  	v16 =	vld [tilespmem:s23+$0x5120];
	v18 =	vadd.f32 v18, v33  }
0x76: {  	v30 =	vadd.f32 v31, v30;
	v23 =	vld [tilespmem:s23+$0x2940];
	v14 =	vadd.f32 v15, v14  }
0x77: {  	v31 =	vld [tilespmem:s23+$0x5130];
	v15 =	vperm.xlane v18, v1  }
0x78: {  	v20 =	vadd.f32 v20, v30;
	v27 =	vld [tilespmem:s23+$0x5140];
	v19 =	vadd.f32 v32, v19;
	v14 =	vmax.f32 v14, $0.0e+00  }
0x79: {  	v30 =	vld [tilespmem:s23+$0x2950];
	v55 =	vadd.f32 v18, v15;
	v18 =	vmul.f32 v14, v4  }
0x7a: {  	v57 =	vld [tilespmem:s23+$0x2970];
	v34 =	vadd.f32 v36, v34;
	v16 =	vadd.f32 v16, v19;
	v15 =	vmax.f32 v20, $0.0e+00  }
0x7b: {  	v28 =	vld [tilespmem:s23+$0x5150];
	v17 =	vadd.f32 v23, v17;
	v41 =	vmul.f32 v15, v5;
	v40 =	vadd.f32 $0.0e+00, v18  }
0x7c: {  	v31 =	vadd.f32 v31, v34;
	v21 =	vld [tilespmem:s23+$0x5160];
	v19 =	vperm.xlane v55, v2;
	v18 =	vmax.f32 v16, $0.0e+00  }
0x7d: {  	v17 =	vadd.f32 v27, v17;
	v20 =	vld [tilespmem:s23+$0x170];
	v59 =	vmul.f32 v18, v6;
	v58 =	vadd.f32 v41, v40  }
0x7e: {  	v27 =	vadd.f32 v30, v54;
	v16 =	vmax.f32 v31, $0.0e+00;
	v19 =	vadd.f32 v55, v19  }
0x7f: {  	s0 =	simm.s32 $0x100;
	v61 =	vadd.f32 v56, v39;
	v23 =	vld [tilespmem:s23+$0x5170];
	v60 =	vmul.f32 v16, v7;
	v31 =	vadd.f32 v59, v58  }
0x80: {  	v42 =	vld [tilespmem:s0+$0x5150];
	v17 =	vmax.f32 v17, $0.0e+00;
	v27 =	vadd.f32 v28, v27;
	v30 =	vperm.xlane v19, v3  }
0x81: {  	v63 =	vld [tilespmem:s0+$0x5120];
	v21 =	vadd.f32 v21, v61;
	v62 =	vmul.f32 v17, v8;
	v31 =	vadd.f32 v60, v31  }
0x82: {  	v48 =	vld [tilespmem:s0+$0x5110];
	v28 =	vadd.f32 v19, v30;
	v19 =	vmax.f32 v27, $0.0e+00;
	v27 =	vadd.f32 v57, v20  }
0x83: {  	v50 =	vld [tilespmem:s0+$0x5100];
	v49 =	vmul.f32 v19, v9;
	v31 =	vadd.f32 v62, v31  }
0x84: {  	v52 =	vld [tilespmem:s0+$0x2900];
	v20 =	vmax.f32 v21, $0.0e+00;
	v28 =	vadd.f32 v28, v12;
	v21 =	vadd.f32 v23, v27  }
0x85: {  	v43 =	vld [tilespmem:s0+$0x2910];
	v51 =	vmul.f32 v20, v10;
	v31 =	vadd.f32 v49, v31  }
0x86: {  	v44 =	vld [tilespmem:s0+$0x120];
	v23 =	vmul.f32 $2.000000030e-01, v28;
	v21 =	vmax.f32 v21, $0.0e+00  }
0x87: {  	v27 =	vld [tilespmem:s0+$0x100];
	v53 =	vmul.f32 v21, v11;
	v31 =	vadd.f32 v51, v31  }
0x88: {  	v45 =	vld [tilespmem:s0+$0x130];
	v23 =	vmax.f32 v28, v23  }
0x89: {  	v28 =	vld [tilespmem:s0+$0x110];
	v23 =	vmul.f32 $1.442695020e+00, v23;
	v31 =	vadd.f32 v53, v31  }
0x8a: {  	v46 =	vld [tilespmem:s0+$0x2930]  }
0x8b: {  	v54 =	vld [tilespmem:s0+$0x2920];
	(erf) = vpow2.f32 v23;
	v23 =	vperm.xlane v31, v0  }
0x8c: {  	v47 =	vld [tilespmem:s0+$0x2950];
	v27 =	vadd.f32 v52, v27  }
0x8d: {  	v36 =	vld [tilespmem:s0+$0x140];
	v31 =	vadd.f32 v31, v23  }
0x8e: {  	v30 =	vld [tilespmem:s0+$0x2940];
	v27 =	vadd.f32 v50, v27;
	v23 =	vadd.f32 v43, v28  }
0x8f: {  	v56 =	vld [tilespmem:s0+$0x5130];
	v28 =	vperm.xlane v31, v1  }
0x90: {  	v41 =	vld [tilespmem:s0+$0x5160];
	v34 =	vadd.f32 v48, v23;
	v23 =	vmax.f32 v27, $0.0e+00;
	v27 =	vadd.f32 v54, v44  }
0x91: {  	v55 =	vld [tilespmem:s0+$0x5140]  }
0x92: {  	v45 =	vadd.f32 v46, v45;
	v57 =	vld [tilespmem:s0+$0x150];
	v59 =	vmul.f32 v23, v4;
	v31 =	vadd.f32 v31, v28  }
0x93: {  	v58 =	vld [tilespmem:s0+$0x160];
	v36 =	vadd.f32 v30, v36;
	v28 =	vmax.f32 v34, $0.0e+00;
	v33 =	vadd.f32 v63, v27  }
0x94: {  	v60 =	vld [tilespmem:s0+$0x2960];
	v61 =	vmul.f32 v28, v5;
	v32 =	vadd.f32 $0.0e+00, v59;
	v27 =	vpop (erf);
	v49 =	vperm.xlane v31, v2  }
0x95: {  	v30 =	vadd.f32 v56, v45;
	v51 =	vld [tilespmem:s0+$0x2970];
	v50 =	vmul.f32 v27, v29;
	v29 =	vmax.f32 v33, $0.0e+00  }
0x96: {  	v48 =	vld [tilespmem:s0+$0x170];
	v32 =	vadd.f32 v61, v32;
	v63 =	vmul.f32 v29, v6;
	v52 =	vadd.f32 v31, v49  }
0x97: {  	s10 =	simm.s32 $0x180;
	v62 =	vld [tilespmem:s0+$0x5170];
	v30 =	vmax.f32 v30, $0.0e+00;
	v53 =	vadd.f32 v47, v57;
	v31 =	vadd.f32 v55, v36;
	[tilespmem:s9+$0x7970] =	vst v50  }
0x98: {  	v55 =	vmul.f32 v30, v7;
	v33 =	vld [tilespmem:s10+$0x5160];
	v54 =	vadd.f32 v63, v32;
	v56 =	vperm.xlane v52, v3  }
0x99: {  	v57 =	vadd.f32 v60, v58;
	v36 =	vadd.f32 v42, v53;
	v32 =	vld [tilespmem:s10+$0x5150];
	v31 =	vmax.f32 v31, $0.0e+00  }
0x9a: {  	v39 =	vld [tilespmem:s10+$0x140];
	v58 =	vmul.f32 v31, v8;
	v43 =	vadd.f32 v55, v54;
	v46 =	vadd.f32 v52, v56  }
0x9b: {  	v59 =	vadd.f32 v41, v57;
	v60 =	vadd.f32 v51, v48;
	v40 =	vld [tilespmem:s10+$0x2940];
	v34 =	vmax.f32 v36, $0.0e+00  }
0x9c: {  	v41 =	vld [tilespmem:s10+$0x5120];
	v61 =	vmul.f32 v34, v9;
	v44 =	vadd.f32 v58, v43;
	v42 =	vadd.f32 v46, v12  }
0x9d: {  	v62 =	vadd.f32 v62, v60;
	v36 =	vmax.f32 v59, $0.0e+00;
	v63 =	vmul.f32 v27, v35;
	v45 =	vld [tilespmem:s10+$0x5100]  }
0x9e: {  	v48 =	vmul.f32 v36, v10;
	v43 =	vld [tilespmem:s10+$0x5110];
	v47 =	vadd.f32 v61, v44;
	v44 =	vmul.f32 $2.000000030e-01, v42  }
0x9f: {  	s12 =	simm.s32 $0x800;
	v38 =	vmul.f32 v27, v38;
	v49 =	vmul.f32 v27, v37;
	v35 =	vmax.f32 v62, $0.0e+00;
	v46 =	vld [tilespmem:s10+$0x100];
	[tilespmem:s9+$0x7900] =	vst v63  }
.LBB2_3:
0xa0: {  	p1 =	sne.s32 s12, $0x9E00;
	v50 =	vld [tilespmem:s10+$0x2900];
	v47 =	vadd.f32 v48, v47;
	v48 =	vmul.f32 v35, v11;
	v42 =	vmax.f32 v42, v44;
	v37 =	vmovc v28  }
0xa1: {  	v13 =	vadd.f32 v27, v13;
	v51 =	vmovc v18;
	v28 =	vld [tilespmem:s10+$0x110];
	v42 =	vmul.f32 $1.442695020e+00, v42;
	[tilespmem:s9+$0x7910] =	vst v49;
	v49 =	vmul.f32 v27, v22  }
0xa2: {  	v52 =	vmul.f32 v27, v24;
	v44 =	vld [tilespmem:s10+$0x2910];
	v47 =	vadd.f32 v48, v47;
	[tilespmem:s9+$0x7920] =	vst v38;
	v38 =	vmul.f32 v27, v25  }
0xa3: {  	v18 =	vmovc v29;
	v22 =	vmovc v16;
	v16 =	vmov v30;
	v27 =	vmul.f32 v27, v26;
	v48 =	vld [tilespmem:s10+$0x120];
	(erf) = vpow2.f32 v42;
	[tilespmem:s9+$0x7930] =	vst v49  }
0xa4: {  	v24 =	vmovc v17;
	v17 =	vmovc v31;
	v25 =	vmov v19;
	v19 =	vmov v34;
	v29 =	vld [tilespmem:s10+$0x2920];
	v30 =	vperm.xlane v47, v0;
	[tilespmem:s9+$0x7940] =	vst v52  }
0xa5: {  	v26 =	vmov v20;
	v20 =	vmov v36;
	v31 =	vadd.f32 v50, v46;
	v34 =	vld [tilespmem:s10+$0x130];
	[tilespmem:s9+$0x7950] =	vst v38  }
0xa6: {  	v36 =	vld [tilespmem:s10+$0x2930];
	v30 =	vadd.f32 v47, v30;
	[tilespmem:s9+$0x7960] =	vst v27;
	s9 =	smov.u32 s23;
	s23 =	smov.u32 s0;
	s0 =	smov.u32 s10  }
0xa7: {  	v27 =	vadd.f32 v45, v31;
	v28 =	vadd.f32 v44, v28;
	v31 =	vld [tilespmem:s0+$0x5140]  }
0xa8: {  	v38 =	vld [tilespmem:s0+$0x5130];
	v42 =	vperm.xlane v30, v1  }
0xa9: {  	v44 =	vmax.f32 v27, $0.0e+00;
	v47 =	vadd.f32 v43, v28;
	v29 =	vadd.f32 v29, v48;
	v43 =	vld [tilespmem:s0+$0x150]  }
0xaa: {  	v39 =	vadd.f32 v40, v39;
	v45 =	vmul.f32 v44, v4;
	v40 =	vld [tilespmem:s0+$0x2950];
	v30 =	vadd.f32 v30, v42  }
0xab: {  	v28 =	vmax.f32 v47, $0.0e+00;
	v29 =	vadd.f32 v41, v29;
	v34 =	vadd.f32 v36, v34;
	v36 =	vld [tilespmem:s0+$0x160]  }
0xac: {  	v41 =	vadd.f32 $0.0e+00, v45;
	v42 =	vmul.f32 v28, v5;
	v45 =	vld [tilespmem:s0+$0x2960];
	v46 =	vperm.xlane v30, v2;
	v27 =	vpop (erf)  }
0xad: {  	v29 =	vmax.f32 v29, $0.0e+00;
	v34 =	vadd.f32 v38, v34;
	v38 =	vld [tilespmem:s0+$0x170];
	v47 =	vmul.f32 v27, v21;
	v21 =	vmovc v35  }
0xae: {  	v35 =	vadd.f32 v42, v41;
	v41 =	vmul.f32 v29, v6;
	v42 =	vld [tilespmem:s0+$0x2970];
	v46 =	vadd.f32 v30, v46  }
0xaf: {  	s10 =	sshra.s32 s12, $0x2;
	v31 =	vadd.f32 v31, v39;
	v30 =	vmax.f32 v34, $0.0e+00;
	v34 =	vadd.f32 v40, v43;
	v48 =	vld [tilespmem:s0+$0x5170];
	[tilespmem:s9+$0x7970] =	vst v47  }
0xb0: {  	v49 =	vld [tilespmem:s10+$0x5160];
	v35 =	vadd.f32 v41, v35;
	v40 =	vmul.f32 v30, v7;
	v41 =	vperm.xlane v46, v3  }
0xb1: {  	v31 =	vmax.f32 v31, $0.0e+00;
	v34 =	vadd.f32 v32, v34;
	v32 =	vld [tilespmem:s10+$0x5150];
	v36 =	vadd.f32 v45, v36  }
0xb2: {  	v43 =	vmul.f32 v31, v8;
	v39 =	vld [tilespmem:s10+$0x140];
	v35 =	vadd.f32 v40, v35;
	v45 =	vadd.f32 v46, v41  }
.Ltmp0:
0xb3: {  	v40 =	vld [tilespmem:s10+$0x2940];
	v34 =	vmax.f32 v34, $0.0e+00;
	v52 =	vadd.f32 v33, v36;
	v38 =	vadd.f32 v42, v38;
	(pc) =	sbr.rel @p1 .LBB2_3-.Ltmp0, $4  }
0xb4: {  	v41 =	vld [tilespmem:s10+$0x5120];
	v35 =	vadd.f32 v43, v35;
	v46 =	vmul.f32 v34, v9;
	v42 =	vadd.f32 v45, v12  }
0xb5: {  	v50 =	vmul.f32 v27, v14;
	v14 =	vmovc v23;
	v23 =	vmovc v44;
	v43 =	vld [tilespmem:s10+$0x5110];
	v36 =	vmax.f32 v52, $0.0e+00;
	v38 =	vadd.f32 v48, v38  }
0xb6: {  	v33 =	vmovc v49;
	v45 =	vld [tilespmem:s10+$0x5100];
	v47 =	vadd.f32 v46, v35;
	v48 =	vmul.f32 v36, v10;
	v44 =	vmul.f32 $2.000000030e-01, v42  }
0xb7: {  	s12 =	sadd.s32 $0x200, s12;
	v49 =	vmul.f32 v27, v15;
	v15 =	vmovc v37;
	v46 =	vld [tilespmem:s10+$0x100];
	v35 =	vmax.f32 v38, $0.0e+00;
	[tilespmem:s9+$0x7900] =	vst v50;
	v38 =	vmul.f32 v27, v51  }
0xb8: {  	v37 =	vld [tilespmem:s10+$0x2900]  }
0xb9: {  	v50 =	vld [tilespmem:s10+$0x110];
	v22 =	vmul.f32 v27, v22;
	[tilespmem:s9+$0x7910] =	vst v49  }
0xba: {  	v24 =	vmul.f32 v27, v24;
	v49 =	vld [tilespmem:s10+$0x2910];
	[tilespmem:s9+$0x7920] =	vst v38  }
0xbb: {  	v25 =	vmul.f32 v27, v25;
	v38 =	vld [tilespmem:s10+$0x120];
	[tilespmem:s9+$0x7930] =	vst v22  }
0xbc: {  	v26 =	vmul.f32 v27, v26;
	v22 =	vld [tilespmem:s10+$0x2920];
	[tilespmem:s9+$0x7940] =	vst v24  }
0xbd: {  	v24 =	vld [tilespmem:s10+$0x130];
	[tilespmem:s9+$0x7950] =	vst v25;
	v59 =	vadd.f32 v37, v46  }
0xbe: {  	v60 =	vld [tilespmem:s10+$0x2930];
	[tilespmem:s9+$0x7960] =	vst v26  }
0xbf: {  	v25 =	vadd.f32 v45, v59;
	v61 =	vadd.f32 v49, v50;
	v45 =	vld [tilespmem:s10+$0x5140]  }
0xc0: {  	v62 =	vld [tilespmem:s10+$0x5130]  }
0xc1: {  	v63 =	vld [tilespmem:s10+$0x150];
	v25 =	vmax.f32 v25, $0.0e+00;
	v26 =	vadd.f32 v43, v61;
	v22 =	vadd.f32 v22, v38  }
0xc2: {  	v53 =	vld [tilespmem:s10+$0x2950];
	v52 =	vmul.f32 v25, v4  }
0xc3: {  	v54 =	vld [tilespmem:s10+$0x160];
	v26 =	vmax.f32 v26, $0.0e+00;
	v22 =	vadd.f32 v41, v22;
	v24 =	vadd.f32 v60, v24  }
0xc4: {  	v57 =	vld [tilespmem:s10+$0x2960];
	v55 =	vadd.f32 $0.0e+00, v52;
	v56 =	vmul.f32 v26, v5  }
0xc5: {  	v39 =	vadd.f32 v40, v39;
	v58 =	vld [tilespmem:s10+$0x170];
	v22 =	vmax.f32 v22, $0.0e+00;
	v24 =	vadd.f32 v62, v24  }
0xc6: {  	v59 =	vadd.f32 v48, v47;
	v61 =	vld [tilespmem:s10+$0x2970];
	v41 =	vadd.f32 v56, v55;
	v60 =	vmul.f32 v22, v6  }
0xc7: {  	v39 =	vadd.f32 v45, v39;
	v38 =	vadd.f32 v53, v63;
	v24 =	vmax.f32 v24, $0.0e+00  }
0xc8: {  	v63 =	vld [tilespmem:s10+$0x5170];
	v62 =	vmul.f32 v35, v11;
	v41 =	vadd.f32 v60, v41;
	v51 =	vmul.f32 v24, v7  }
0xc9: {  	v37 =	vadd.f32 v57, v54;
	v39 =	vmax.f32 v39, $0.0e+00;
	v32 =	vadd.f32 v32, v38  }
0xca: {  	v52 =	vadd.f32 v62, v59;
	v53 =	vmul.f32 v39, v8;
	v41 =	vadd.f32 v51, v41  }
0xcb: {  	v33 =	vadd.f32 v33, v37;
	v54 =	vadd.f32 v61, v58;
	v32 =	vmax.f32 v32, $0.0e+00  }
0xcc: {  	v55 =	vperm.xlane v52, v0;
	v56 =	vmul.f32 v32, v9;
	v41 =	vadd.f32 v53, v41  }
0xcd: {  	v33 =	vmax.f32 v33, $0.0e+00;
	v37 =	vadd.f32 v63, v54  }
0xce: {  	v58 =	vmul.f32 v33, v10;
	v38 =	vadd.f32 v52, v55;
	v57 =	vadd.f32 v56, v41  }
0xcf: {  	v37 =	vmax.f32 v37, $0.0e+00  }
0xd0: {  	v60 =	vmul.f32 v37, v11;
	v59 =	vperm.xlane v38, v1;
	v40 =	vadd.f32 v58, v57;
	_ =	sdelay $0x1  }
0xd1: {  	v38 =	vadd.f32 v38, v59;
	v40 =	vadd.f32 v60, v40;
	_ =	sdelay $0x1  }
0xd2: {  	v61 =	vperm.xlane v38, v2;
	v62 =	vperm.xlane v40, v0;
	_ =	sdelay $0x1  }
0xd3: {  	v38 =	vadd.f32 v38, v61;
	v40 =	vadd.f32 v40, v62;
	_ =	sdelay $0x1  }
0xd4: {  	v63 =	vmax.f32 v42, v44;
	v45 =	vperm.xlane v38, v3;
	v43 =	vperm.xlane v40, v1  }
0xd5: {  	v41 =	vmul.f32 $1.442695020e+00, v63  }
0xd6: {  	v38 =	vadd.f32 v38, v45;
	v40 =	vadd.f32 v40, v43  }
0xd7: {  	(erf) = vpow2.f32 v41  }
0xd8: {  	v38 =	vadd.f32 v38, v12;
	v46 =	vperm.xlane v40, v2;
	_ =	sdelay $0x1  }
0xd9: {  	v47 =	vmul.f32 $2.000000030e-01, v38;
	v40 =	vadd.f32 v40, v46;
	_ =	sdelay $0x1  }
0xda: {  	v38 =	vmax.f32 v38, v47;
	v41 =	vperm.xlane v40, v3  }
0xdb: {  	v38 =	vmul.f32 $1.442695020e+00, v38  }
0xdc: {  	v40 =	vadd.f32 v40, v41  }
0xdd: {  	(erf) = vpow2.f32 v38  }
0xde: {  	v48 =	vpop (erf);
	v40 =	vadd.f32 v40, v12  }
0xdf: {  	v21 =	vmul.f32 v48, v21  }
0xe0: {  	v15 =	vmul.f32 v48, v15;
	v49 =	vmul.f32 $2.000000030e-01, v40  }
0xe1: {  	v14 =	vmul.f32 v48, v14;
	[tilespmem:s23+$0x7970] =	vst v21  }
0xe2: {  	v52 =	vmul.f32 v48, v19;
	[tilespmem:s23+$0x7910] =	vst v15;
	v15 =	vmul.f32 v48, v16;
	v50 =	vmax.f32 v40, v49  }
0xe3: {  	[tilespmem:s23+$0x7900] =	vst v14;
	v14 =	vmul.f32 v48, v18;
	v51 =	vmul.f32 $1.442695020e+00, v50  }
0xe4: {  	[tilespmem:s23+$0x7950] =	vst v52  }
0xe5: {  	[tilespmem:s23+$0x7920] =	vst v14;
	v14 =	vmul.f32 v48, v17;
	(erf) = vpow2.f32 v51  }
0xe6: {  	v53 =	vmul.f32 v48, v20;
	[tilespmem:s23+$0x7930] =	vst v15;
	v15 =	vpop (erf)  }
0xe7: {  	[tilespmem:s23+$0x7940] =	vst v14;
	v14 =	vmul.f32 v15, v35  }
0xe8: {  	[tilespmem:s23+$0x7960] =	vst v53;
	v54 =	vmul.f32 v15, v23  }
0xe9: {  	v55 =	vmul.f32 v15, v29;
	[tilespmem:s0+$0x7970] =	vst v14  }
0xea: {  	v14 =	vmul.f32 v15, v28;
	[tilespmem:s0+$0x7900] =	vst v54  }
0xeb: {  	v56 =	vmul.f32 v15, v31;
	[tilespmem:s0+$0x7920] =	vst v55  }
0xec: {  	[tilespmem:s0+$0x7910] =	vst v14;
	v14 =	vmul.f32 v15, v30  }
0xed: {  	v57 =	vmul.f32 v15, v34;
	[tilespmem:s0+$0x7940] =	vst v56  }
0xee: {  	[tilespmem:s0+$0x7930] =	vst v14;
	v14 =	vmul.f32 v15, v36;
	v58 =	vpop (erf)  }
0xef: {  	[tilespmem:s0+$0x7950] =	vst v57;
	v59 =	vmul.f32 v58, v37  }
0xf0: {  	[tilespmem:s0+$0x7960] =	vst v14;
	v14 =	vmul.f32 v58, v25  }
0xf1: {  	v60 =	vmul.f32 v58, v26;
	[tilespmem:s10+$0x7970] =	vst v59  }
0xf2: {  	v61 =	vmul.f32 v58, v24;
	[tilespmem:s10+$0x7900] =	vst v14  }
0xf3: {  	v62 =	vmul.f32 v58, v32;
	[tilespmem:s10+$0x7910] =	vst v60  }
0xf4: {  	v14 =	vmul.f32 v58, v22;
	[tilespmem:s10+$0x7930] =	vst v61  }
0xf5: {  	v63 =	vmul.f32 v58, v33;
	[tilespmem:s10+$0x7950] =	vst v62  }
0xf6: {  	v13 =	vadd.f32 v27, v13;
	s21 =	sadd.s32 $0x1, s21;
	[tilespmem:s10+$0x7920] =	vst v14;
	v14 =	vmul.f32 v58, v39  }
0xf7: {  	p1 =	sne.s32 s21, $0x7D;
	[tilespmem:s10+$0x7960] =	vst v63  }
.Ltmp1:
0xf8: {  	v13 =	vadd.f32 v48, v13;
	[tilespmem:s10+$0x7940] =	vst v14;
	(pc) =	sbr.rel @p1 .LBB2_2-.Ltmp1, $4  }
0xf9: {  	[spmem:s2] =	stream.indirect.scatter.add.f32 [tilespmem:s31], [sflag:$0x2], $0x80, s24, s26, $0xb8;
	[tilespmem:$0x1DB00] =	vst v63  }
0xfa: {  	v13 =	vadd.f32 v15, v13;
	_ =	swait.ge [sflag:s22], $0x2800  }
0xfb: {  	[sflag:s22] =	ssyncset.done $0x0  }
0xfc: {  	v13 =	vadd.f32 v58, v13;
	[sflag:s22] =	ssyncadd.s32 $0xFFFFD800  }
0xfd: {  	_ = 	snop  }
0xfe: {  	s0 =	simm.s32 $0xA100;
	[tilespmem:$0xA100] =	vst v13  }
0xff: {  	[hbm4b:s14+s4] =	stream.linear.scatter [tilespmem:s0], [sflag:$0x2], $0x80, $0x38;
	[tilespmem:$0x1DB00] =	vst v63  }
0x100: {  	_ =	swait.ge [sflag:s22], $0x80  }
0x101: {  	[sflag:s22] =	ssyncset.done $0x0  }
0x102: {  	[sflag:s22] =	ssyncadd.s32 $0xFFFFFF80  }
0x103: {  	s0 =	simm.s32 @p0 $0x1FC2;
	[bflag:$0x0] =	sbarrier.arrive $0xFFFF  }
0x104: {  	[hbm:s15], [sflag:s0] =	dma.local @p0 [spmem:s18], $0x2080  }
0x105: {  	s0 =	simm.s32 @p0 $0x2  }
0x106: {  	s3 =	sadd.s32 $0x1, s3;
	_ =	swait.ge @p0 [sflag:s0], $0x2080  }
0x107: {  	p1 =	sne.s32 s3, s17;
	[sflag:s0] =	ssyncset.done @p0 $0x0  }
.Ltmp2:
0x108: {  	[sflag:s0] =	ssyncadd.s32 @p0 $0xFFFFDF80;
	s0 =	simm.s32 @!p0 $0x2;
	(pc) =	sbr.rel @p1 .LBB2_1-.Ltmp2, $4  }
0x109: {  	[hbm:s16], [sflag:s19] =	dma.local @!p0 [spmem:s20], $0x2780  }
0x10a: {  	_ =	swait.ge @!p0 [sflag:s0], $0x2780  }
0x10b: {  	[sflag:s0] =	ssyncset.done @!p0 $0x0  }
0x10c: {  	[sflag:s0] =	ssyncadd.s32 @!p0 $0xFFFFD880  }
0x10d: {  	_ =	sfence.sel $0x180000  }
0x10e: {  	[bflag:$0x0] =	sbarrier.arrive $0xFFFF  }
0x10f: {  	_ =	strace $0x90000047  }
0x110: {  	s0 =	stileid.u32;
	[bflag:$0x2] =	sbarrier.arrive $0xFFFF  }
0x111: {  	p0 =	sne.s32 s0, $0x0;
	s0 =	rddreg [dreg:$0x3]  }
0x112: {  	s0 =	sadd.s32 @!p0 $0x100000, s0  }
0x113: {  	[sflag:s0] =	ssyncadd.tile.s32 @!p0 $0x1;
	_ =	shalt  }
.Lfunc_end2:
_tile_overlayer_lowered:
.L_overlay_start_2:
0x114: {  	(tag) =	ssettag $0x2  }
0x115: {  	s0 =	rddreg [dreg:$0x0];
	s2 =	stileid.u32  }
0x116: {  	s1 =	rddreg [dreg:$0x1];
	p0 =	sne.s32 s2, $0x0  }
0x117: {  	s3 =	rddreg [dreg:$0x2];
	[bflag:$0x3] =	sbarrier.arrive $0xFFFF;
	s2 =	simm.s32 @!p0 $0x1C02  }
0x118: {  	[timem:s3], [sflag:s2] =	dma.local @!p0 [hbm:s0], s1  }
0x119: {  	s0 =	simm.s32 @!p0 $0x2  }
0x11a: {  	_ =	swait.ge @!p0 [sflag:s0], s1  }
0x11b: {  	s1 =	ssub.s32 @!p0 $0x0, s1;
	[sflag:s0] =	ssyncset.done @!p0 $0x0  }
0x11c: {  	[sflag:s0] =	ssyncadd.s32 @!p0 s1  }
0x11d: {  	[bflag:$0x3] =	sbarrier.arrive $0xFFFF  }
0x11e: {  	_ =	shalt  }

</sc_bundles>
